<compile_context>
chip_gen: v7x
topology: tpu7x:2x2x1
jax: 0.10.2.dev20260603
libtpu: 0.0.44.dev20260713+nightly
codegen_flags: <defaults>
</compile_context>

<pallas_src>
import jax
import jax.numpy as jnp
from jax import lax
from jax.experimental import pallas as pl
from jax.experimental.pallas import tpu as pltpu
from jax.experimental.pallas import tpu_sc as plsc

_B = 16384
_NC = 2
_NS = 16
_NW = _NC * _NS
_NBLK = _B // 128
_BLK_PER_W = _NBLK // _NW
_NGRP = 128 // 16
_TBASE = (0, 4, 12, 28)


def _body(idx_hbm, tbl_hbm, out_hbm, idx_v, tbl_v, out_v, sem):
    wid = lax.axis_index("s") * _NC + lax.axis_index("c")
    base = wid * _BLK_PER_W
    cps = [
        pltpu.async_copy(idx_hbm.at[pl.ds(base, _BLK_PER_W)], idx_v, sem),
        pltpu.async_copy(tbl_hbm, tbl_v, sem),
    ]
    for cp in cps:
        cp.wait()

    def group(g, _):
        sl = pl.ds(g * 16, 16)
        for b in range(_BLK_PER_W):
            for t in range(4):
                cidx2 = idx_v[b, t, sl] * 2 + _TBASE[t]
                for c in range(2):
                    out_v[b, 2 * t + c, sl] = plsc.load_gather(
                        tbl_v, [cidx2 + c])
        return _

    lax.fori_loop(0, _NGRP, group, 0)

    pltpu.sync_copy(out_v, out_hbm.at[pl.ds(base, _BLK_PER_W)])


def _fuse_tables(day_ref, donorT_ref, cellT_ref, tech_ref, out_ref):
    def scatter_tbl(ref, base, transposed):
        v = ref[...]
        s = v.shape
        a = lax.broadcasted_iota(jnp.int32, (s[0], s[1], 32), 0)
        b = lax.broadcasted_iota(jnp.int32, (s[0], s[1], 32), 1)
        kk = lax.broadcasted_iota(jnp.int32, (s[0], s[1], 32), 2)
        slot = (2 * b + a) if transposed else (2 * a + b)
        m = kk == (base + slot)
        return jnp.sum(jnp.where(m, v[:, :, None], 0.0), axis=(0, 1))

    out_ref[...] = (scatter_tbl(day_ref, 0, False)
                    + scatter_tbl(donorT_ref, 4, True)
                    + scatter_tbl(cellT_ref, 12, True)
                    + scatter_tbl(tech_ref, 28, False))


def kernel(inputs, day_table, donor_table, cell_type_table, technology_table):
    mesh = plsc.VectorSubcoreMesh(
        core_axis_name="c", subcore_axis_name="s",
        num_cores=_NC, num_subcores=_NS,
    )
    k = pl.kernel(
        _body,
        out_type=jax.ShapeDtypeStruct((_NBLK, 8, 128), jnp.float32),
        mesh=mesh,
        scratch_types=[
            pltpu.VMEM((_BLK_PER_W, 4, 128), jnp.int32),
            pltpu.VMEM((32,), jnp.float32),
            pltpu.VMEM((_BLK_PER_W, 8, 128), jnp.float32),
            pltpu.SemaphoreType.DMA,
        ],
        compiler_params=pltpu.CompilerParams(
            needs_layout_passes=False, use_tc_tiling_on_sc=False),
    )
    idx3d = inputs.reshape(_NBLK, 128, 4).transpose(0, 2, 1)
    tbl = pl.pallas_call(
        _fuse_tables,
        out_shape=jax.ShapeDtypeStruct((32,), jnp.float32),
    )(day_table, donor_table.T, cell_type_table.T, technology_table)
    out3d = k(idx3d, tbl)
    return out3d.transpose(0, 2, 1).reshape(_B, 8)

# --- scband reference (transcript-rebuilt; emitter-appended) ---
"""Pipeline reference for scband-embedding-metadata-84018150244666 (READ-ONLY COPY).

The authoritative reference and input builder live on the scoring server;
editing this copy changes nothing except your own understanding.
"""

import jax, jax.numpy as jnp
import numpy as np


def setup_inputs(seed: int = 0) -> dict:
    key = jax.random.key(seed)
    k_idx, k1, k2, k3, k4 = jax.random.split(key, 5)
    # indices in [0, 2) so they are in-range for every table (min vocab = 2)
    inputs = jax.random.randint(k_idx, (16384, 4), 0, 2, dtype=jnp.int32)
    day_table = jax.random.normal(k1, (2, 2), dtype=jnp.float32) * 0.05
    donor_table = jax.random.normal(k2, (4, 2), dtype=jnp.float32) * 0.05
    cell_type_table = jax.random.normal(k3, (8, 2), dtype=jnp.float32) * 0.05
    technology_table = jax.random.normal(k4, (2, 2), dtype=jnp.float32) * 0.05
    return {
        "inputs": inputs,
        "day_table": day_table,
        "donor_table": donor_table,
        "cell_type_table": cell_type_table,
        "technology_table": technology_table,
    }


def reference(inputs, day_table, donor_table, cell_type_table, technology_table):
    # keys = ['day', 'donor', 'cell_type', 'technology']; column i of inputs
    # indexes the i-th table; results concatenated along feature axis.
    lst = [
        jnp.take(day_table, inputs[:, 0], axis=0),
        jnp.take(donor_table, inputs[:, 1], axis=0),
        jnp.take(cell_type_table, inputs[:, 2], axis=0),
        jnp.take(technology_table, inputs[:, 3], axis=0),
    ]
    return jnp.concatenate(lst, axis=1)

if __name__ == "__main__":
    import jax
    _d = setup_inputs()
    print(jax.jit(kernel)(*tuple(_d.values())))

</pallas_src>

<mosaic_0001>
#map = affine_map<(d0, d1) -> (0, 0, 0)>
#map1 = affine_map<(d0, d1) -> (0)>
module attributes {stable_mosaic.version = 14 : i64} {
  func.func @_body(%arg0: i32, %arg1: i32, %arg2: memref<128x4x128xi32, #tpu.memory_space<hbm>>, %arg3: memref<32xf32, #tpu.memory_space<hbm>>, %arg4: memref<128x8x128xf32, #tpu.memory_space<hbm>>, %arg5: memref<4x4x128xi32, #tpu.memory_space<vmem>>, %arg6: memref<32xf32, #tpu.memory_space<vmem>>, %arg7: memref<4x8x128xf32, #tpu.memory_space<vmem>>, %arg8: memref<!tpu.dma_semaphore, #tpu.memory_space<semaphore_mem>>) attributes {dimension_semantics = [#tpu.dimension_semantics<core_parallel>, #tpu.dimension_semantics<subcore_parallel>], iteration_bounds = array<i64: 2, 16>, scalar_prefetch = 0 : i64, scratch_operands = 4 : i64, tpu.core_type = #tpu.core_type<sc_vector_subcore>, window_params = [{transform_indices = #map}, {transform_indices = #map1}, {transform_indices = #map}]} {
    %mul3A = arith.constant 2 : i32
    %mul3A_0 = arith.muli %arg1, %mul3A : i32
    %add3A = arith.addi %mul3A_0, %arg0 : i32
    %mul3A_1 = arith.constant 4 : i32
    %mul3A_2 = arith.muli %add3A, %mul3A_1 : i32
    %dma_start3A = arith.constant 0 : i32
    %dma_start3A_3 = arith.constant 0 : i32
    %dma_start3A_4 = tpu.memref_slice %arg2[%mul3A_2, %dma_start3A, %dma_start3A_3] : memref<128x4x128xi32, #tpu.memory_space<hbm>> -> memref<4x4x128xi32, #tpu.memory_space<hbm>>
    %dma_start3A_5 = arith.constant 0 : i32
    %dma_start3A_6 = arith.constant 0 : i32
    %dma_start3A_7 = tpu.memref_slice %arg2[%mul3A_2, %dma_start3A_5, %dma_start3A_6] : memref<128x4x128xi32, #tpu.memory_space<hbm>> -> memref<4x4x128xi32, #tpu.memory_space<hbm>>
    tpu.enqueue_dma source(%dma_start3A_7 : memref<4x4x128xi32, #tpu.memory_space<hbm>>) target(%arg5 : memref<4x4x128xi32, #tpu.memory_space<vmem>>) target_semaphore(%arg8 : memref<!tpu.dma_semaphore, #tpu.memory_space<semaphore_mem>>)
    tpu.enqueue_dma source(%arg3 : memref<32xf32, #tpu.memory_space<hbm>>) target(%arg6 : memref<32xf32, #tpu.memory_space<vmem>>) target_semaphore(%arg8 : memref<!tpu.dma_semaphore, #tpu.memory_space<semaphore_mem>>)
    %dma_wait3A = arith.constant 0 : i32
    %dma_wait3A_8 = arith.constant 0 : i32
    %dma_wait3A_9 = tpu.memref_slice %arg2[%mul3A_2, %dma_wait3A, %dma_wait3A_8] : memref<128x4x128xi32, #tpu.memory_space<hbm>> -> memref<4x4x128xi32, #tpu.memory_space<hbm>>
    %dma_wait3A_10 = arith.constant 0 : i32
    %dma_wait3A_11 = arith.constant 0 : i32
    %dma_wait3A_12 = tpu.memref_slice %arg2[%mul3A_2, %dma_wait3A_10, %dma_wait3A_11] : memref<128x4x128xi32, #tpu.memory_space<hbm>> -> memref<4x4x128xi32, #tpu.memory_space<hbm>>
    tpu.wait_dma2 semaphore(%arg8 : memref<!tpu.dma_semaphore, #tpu.memory_space<semaphore_mem>>) src(%dma_wait3A_12 : memref<4x4x128xi32, #tpu.memory_space<hbm>>) dst(%arg5 : memref<4x4x128xi32, #tpu.memory_space<vmem>>)
    tpu.wait_dma2 semaphore(%arg8 : memref<!tpu.dma_semaphore, #tpu.memory_space<semaphore_mem>>) src(%arg3 : memref<32xf32, #tpu.memory_space<hbm>>) dst(%arg6 : memref<32xf32, #tpu.memory_space<vmem>>)
    %scan3A = arith.constant 0 : i32
    %scan3A_13 = arith.constant 0 : i32
    %scan3A_14 = arith.constant 8 : i32
    %scan3A_15 = arith.addi %scan3A_13, %scan3A_14 : i32
    %scan3A_16 = arith.constant 1 : i32
    scf.for %scan3A_18 = %scan3A_13 to %scan3A_15 step %scan3A_16  : i32 {
      %mul3A_19 = arith.constant 16 : i32
      %mul3A_20 = arith.muli %scan3A_18, %mul3A_19 : i32
      %get3A = arith.constant 0 : i32
      %get3A_21 = arith.constant 0 : i32
      %get3A_22 = arith.index_cast %get3A : i32 to index
      %get3A_23 = arith.index_cast %get3A_21 : i32 to index
      %get3A_24 = arith.index_cast %mul3A_20 : i32 to index
      %get3A_25 = tpu.vector_load %arg5[%get3A_22, %get3A_23, %get3A_24] {strides = array<i32>} : memref<4x4x128xi32, #tpu.memory_space<vmem>>, vector<16xi32>,
      %mul3A_26 = arith.constant 2 : i32
      %mul3A_27 = vector.broadcast %mul3A_26 : i32 to vector<16xi32>
      %mul3A_28 = arith.muli %get3A_25, %mul3A_27 : vector<16xi32>
      %add3A_29 = arith.constant 0 : i32
      %add3A_30 = vector.broadcast %add3A_29 : i32 to vector<16xi32>
      %add3A_31 = arith.addi %mul3A_28, %add3A_30 : vector<16xi32>
      %add3A_32 = arith.constant 0 : i32
      %add3A_33 = vector.broadcast %add3A_32 : i32 to vector<16xi32>
      %add3A_34 = arith.addi %add3A_31, %add3A_33 : vector<16xi32>
      %gather3A = tpu.vector_load_idx %arg6[%add3A_34] : memref<32xf32, #tpu.memory_space<vmem>>[vector<16xi32>], vector<16xf32>,
      %swap3A = arith.constant 0 : i32
      %swap3A_35 = arith.constant 0 : i32
      %swap3A_36 = arith.index_cast %swap3A : i32 to index
      %swap3A_37 = arith.index_cast %swap3A_35 : i32 to index
      %swap3A_38 = arith.index_cast %mul3A_20 : i32 to index
      %swap3A_39 = tpu.vector_load %arg7[%swap3A_36, %swap3A_37, %swap3A_38] {strides = array<i32>} : memref<4x8x128xf32, #tpu.memory_space<vmem>>, vector<16xf32>,
      tpu.vector_store %arg7[%swap3A_36, %swap3A_37, %swap3A_38], %gather3A {strides = array<i32>} : memref<4x8x128xf32, #tpu.memory_space<vmem>>, vector<16xf32>,
      %add3A_40 = arith.constant 1 : i32
      %add3A_41 = vector.broadcast %add3A_40 : i32 to vector<16xi32>
      %add3A_42 = arith.addi %add3A_31, %add3A_41 : vector<16xi32>
      %gather3A_43 = tpu.vector_load_idx %arg6[%add3A_42] : memref<32xf32, #tpu.memory_space<vmem>>[vector<16xi32>], vector<16xf32>,
      %swap3A_44 = arith.constant 0 : i32
      %swap3A_45 = arith.constant 1 : i32
      %swap3A_46 = arith.index_cast %swap3A_44 : i32 to index
      %swap3A_47 = arith.index_cast %swap3A_45 : i32 to index
      %swap3A_48 = arith.index_cast %mul3A_20 : i32 to index
      %swap3A_49 = tpu.vector_load %arg7[%swap3A_46, %swap3A_47, %swap3A_48] {strides = array<i32>} : memref<4x8x128xf32, #tpu.memory_space<vmem>>, vector<16xf32>,
      tpu.vector_store %arg7[%swap3A_46, %swap3A_47, %swap3A_48], %gather3A_43 {strides = array<i32>} : memref<4x8x128xf32, #tpu.memory_space<vmem>>, vector<16xf32>,
      %get3A_50 = arith.constant 0 : i32
      %get3A_51 = arith.constant 1 : i32
      %get3A_52 = arith.index_cast %get3A_50 : i32 to index
      %get3A_53 = arith.index_cast %get3A_51 : i32 to index
      %get3A_54 = arith.index_cast %mul3A_20 : i32 to index
      %get3A_55 = tpu.vector_load %arg5[%get3A_52, %get3A_53, %get3A_54] {strides = array<i32>} : memref<4x4x128xi32, #tpu.memory_space<vmem>>, vector<16xi32>,
      %mul3A_56 = arith.constant 2 : i32
      %mul3A_57 = vector.broadcast %mul3A_56 : i32 to vector<16xi32>
      %mul3A_58 = arith.muli %get3A_55, %mul3A_57 : vector<16xi32>
      %add3A_59 = arith.constant 4 : i32
      %add3A_60 = vector.broadcast %add3A_59 : i32 to vector<16xi32>
      %add3A_61 = arith.addi %mul3A_58, %add3A_60 : vector<16xi32>
      %add3A_62 = arith.constant 0 : i32
      %add3A_63 = vector.broadcast %add3A_62 : i32 to vector<16xi32>
      %add3A_64 = arith.addi %add3A_61, %add3A_63 : vector<16xi32>
      %gather3A_65 = tpu.vector_load_idx %arg6[%add3A_64] : memref<32xf32, #tpu.memory_space<vmem>>[vector<16xi32>], vector<16xf32>,
      %swap3A_66 = arith.constant 0 : i32
      %swap3A_67 = arith.constant 2 : i32
      %swap3A_68 = arith.index_cast %swap3A_66 : i32 to index
      %swap3A_69 = arith.index_cast %swap3A_67 : i32 to index
      %swap3A_70 = arith.index_cast %mul3A_20 : i32 to index
      %swap3A_71 = tpu.vector_load %arg7[%swap3A_68, %swap3A_69, %swap3A_70] {strides = array<i32>} : memref<4x8x128xf32, #tpu.memory_space<vmem>>, vector<16xf32>,
      tpu.vector_store %arg7[%swap3A_68, %swap3A_69, %swap3A_70], %gather3A_65 {strides = array<i32>} : memref<4x8x128xf32, #tpu.memory_space<vmem>>, vector<16xf32>,
      %add3A_72 = arith.constant 1 : i32
      %add3A_73 = vector.broadcast %add3A_72 : i32 to vector<16xi32>
      %add3A_74 = arith.addi %add3A_61, %add3A_73 : vector<16xi32>
      %gather3A_75 = tpu.vector_load_idx %arg6[%add3A_74] : memref<32xf32, #tpu.memory_space<vmem>>[vector<16xi32>], vector<16xf32>,
      %swap3A_76 = arith.constant 0 : i32
      %swap3A_77 = arith.constant 3 : i32
      %swap3A_78 = arith.index_cast %swap3A_76 : i32 to index
      %swap3A_79 = arith.index_cast %swap3A_77 : i32 to index
      %swap3A_80 = arith.index_cast %mul3A_20 : i32 to index
      %swap3A_81 = tpu.vector_load %arg7[%swap3A_78, %swap3A_79, %swap3A_80] {strides = array<i32>} : memref<4x8x128xf32, #tpu.memory_space<vmem>>, vector<16xf32>,
      tpu.vector_store %arg7[%swap3A_78, %swap3A_79, %swap3A_80], %gather3A_75 {strides = array<i32>} : memref<4x8x128xf32, #tpu.memory_space<vmem>>, vector<16xf32>,
      %get3A_82 = arith.constant 0 : i32
      %get3A_83 = arith.constant 2 : i32
      %get3A_84 = arith.index_cast %get3A_82 : i32 to index
      %get3A_85 = arith.index_cast %get3A_83 : i32 to index
      %get3A_86 = arith.index_cast %mul3A_20 : i32 to index
      %get3A_87 = tpu.vector_load %arg5[%get3A_84, %get3A_85, %get3A_86] {strides = array<i32>} : memref<4x4x128xi32, #tpu.memory_space<vmem>>, vector<16xi32>,
      %mul3A_88 = arith.constant 2 : i32
      %mul3A_89 = vector.broadcast %mul3A_88 : i32 to vector<16xi32>
      %mul3A_90 = arith.muli %get3A_87, %mul3A_89 : vector<16xi32>
      %add3A_91 = arith.constant 12 : i32
      %add3A_92 = vector.broadcast %add3A_91 : i32 to vector<16xi32>
      %add3A_93 = arith.addi %mul3A_90, %add3A_92 : vector<16xi32>
      %add3A_94 = arith.constant 0 : i32
      %add3A_95 = vector.broadcast %add3A_94 : i32 to vector<16xi32>
      %add3A_96 = arith.addi %add3A_93, %add3A_95 : vector<16xi32>
      %gather3A_97 = tpu.vector_load_idx %arg6[%add3A_96] : memref<32xf32, #tpu.memory_space<vmem>>[vector<16xi32>], vector<16xf32>,
      %swap3A_98 = arith.constant 0 : i32
      %swap3A_99 = arith.constant 4 : i32
      %swap3A_100 = arith.index_cast %swap3A_98 : i32 to index
      %swap3A_101 = arith.index_cast %swap3A_99 : i32 to index
      %swap3A_102 = arith.index_cast %mul3A_20 : i32 to index
      %swap3A_103 = tpu.vector_load %arg7[%swap3A_100, %swap3A_101, %swap3A_102] {strides = array<i32>} : memref<4x8x128xf32, #tpu.memory_space<vmem>>, vector<16xf32>,
      tpu.vector_store %arg7[%swap3A_100, %swap3A_101, %swap3A_102], %gather3A_97 {strides = array<i32>} : memref<4x8x128xf32, #tpu.memory_space<vmem>>, vector<16xf32>,
      %add3A_104 = arith.constant 1 : i32
      %add3A_105 = vector.broadcast %add3A_104 : i32 to vector<16xi32>
      %add3A_106 = arith.addi %add3A_93, %add3A_105 : vector<16xi32>
      %gather3A_107 = tpu.vector_load_idx %arg6[%add3A_106] : memref<32xf32, #tpu.memory_space<vmem>>[vector<16xi32>], vector<16xf32>,
      %swap3A_108 = arith.constant 0 : i32
      %swap3A_109 = arith.constant 5 : i32
      %swap3A_110 = arith.index_cast %swap3A_108 : i32 to index
      %swap3A_111 = arith.index_cast %swap3A_109 : i32 to index
      %swap3A_112 = arith.index_cast %mul3A_20 : i32 to index
      %swap3A_113 = tpu.vector_load %arg7[%swap3A_110, %swap3A_111, %swap3A_112] {strides = array<i32>} : memref<4x8x128xf32, #tpu.memory_space<vmem>>, vector<16xf32>,
      tpu.vector_store %arg7[%swap3A_110, %swap3A_111, %swap3A_112], %gather3A_107 {strides = array<i32>} : memref<4x8x128xf32, #tpu.memory_space<vmem>>, vector<16xf32>,
      %get3A_114 = arith.constant 0 : i32
      %get3A_115 = arith.constant 3 : i32
      %get3A_116 = arith.index_cast %get3A_114 : i32 to index
      %get3A_117 = arith.index_cast %get3A_115 : i32 to index
      %get3A_118 = arith.index_cast %mul3A_20 : i32 to index
      %get3A_119 = tpu.vector_load %arg5[%get3A_116, %get3A_117, %get3A_118] {strides = array<i32>} : memref<4x4x128xi32, #tpu.memory_space<vmem>>, vector<16xi32>,
      %mul3A_120 = arith.constant 2 : i32
      %mul3A_121 = vector.broadcast %mul3A_120 : i32 to vector<16xi32>
      %mul3A_122 = arith.muli %get3A_119, %mul3A_121 : vector<16xi32>
      %add3A_123 = arith.constant 28 : i32
      %add3A_124 = vector.broadcast %add3A_123 : i32 to vector<16xi32>
      %add3A_125 = arith.addi %mul3A_122, %add3A_124 : vector<16xi32>
      %add3A_126 = arith.constant 0 : i32
      %add3A_127 = vector.broadcast %add3A_126 : i32 to vector<16xi32>
      %add3A_128 = arith.addi %add3A_125, %add3A_127 : vector<16xi32>
      %gather3A_129 = tpu.vector_load_idx %arg6[%add3A_128] : memref<32xf32, #tpu.memory_space<vmem>>[vector<16xi32>], vector<16xf32>,
      %swap3A_130 = arith.constant 0 : i32
      %swap3A_131 = arith.constant 6 : i32
      %swap3A_132 = arith.index_cast %swap3A_130 : i32 to index
      %swap3A_133 = arith.index_cast %swap3A_131 : i32 to index
      %swap3A_134 = arith.index_cast %mul3A_20 : i32 to index
      %swap3A_135 = tpu.vector_load %arg7[%swap3A_132, %swap3A_133, %swap3A_134] {strides = array<i32>} : memref<4x8x128xf32, #tpu.memory_space<vmem>>, vector<16xf32>,
      tpu.vector_store %arg7[%swap3A_132, %swap3A_133, %swap3A_134], %gather3A_129 {strides = array<i32>} : memref<4x8x128xf32, #tpu.memory_space<vmem>>, vector<16xf32>,
      %add3A_136 = arith.constant 1 : i32
      %add3A_137 = vector.broadcast %add3A_136 : i32 to vector<16xi32>
      %add3A_138 = arith.addi %add3A_125, %add3A_137 : vector<16xi32>
      %gather3A_139 = tpu.vector_load_idx %arg6[%add3A_138] : memref<32xf32, #tpu.memory_space<vmem>>[vector<16xi32>], vector<16xf32>,
      %swap3A_140 = arith.constant 0 : i32
      %swap3A_141 = arith.constant 7 : i32
      %swap3A_142 = arith.index_cast %swap3A_140 : i32 to index
      %swap3A_143 = arith.index_cast %swap3A_141 : i32 to index
      %swap3A_144 = arith.index_cast %mul3A_20 : i32 to index
      %swap3A_145 = tpu.vector_load %arg7[%swap3A_142, %swap3A_143, %swap3A_144] {strides = array<i32>} : memref<4x8x128xf32, #tpu.memory_space<vmem>>, vector<16xf32>,
      tpu.vector_store %arg7[%swap3A_142, %swap3A_143, %swap3A_144], %gather3A_139 {strides = array<i32>} : memref<4x8x128xf32, #tpu.memory_space<vmem>>, vector<16xf32>,
      %get3A_146 = arith.constant 1 : i32
      %get3A_147 = arith.constant 0 : i32
      %get3A_148 = arith.index_cast %get3A_146 : i32 to index
      %get3A_149 = arith.index_cast %get3A_147 : i32 to index
      %get3A_150 = arith.index_cast %mul3A_20 : i32 to index
      %get3A_151 = tpu.vector_load %arg5[%get3A_148, %get3A_149, %get3A_150] {strides = array<i32>} : memref<4x4x128xi32, #tpu.memory_space<vmem>>, vector<16xi32>,
      %mul3A_152 = arith.constant 2 : i32
      %mul3A_153 = vector.broadcast %mul3A_152 : i32 to vector<16xi32>
      %mul3A_154 = arith.muli %get3A_151, %mul3A_153 : vector<16xi32>
      %add3A_155 = arith.constant 0 : i32
      %add3A_156 = vector.broadcast %add3A_155 : i32 to vector<16xi32>
      %add3A_157 = arith.addi %mul3A_154, %add3A_156 : vector<16xi32>
      %add3A_158 = arith.constant 0 : i32
      %add3A_159 = vector.broadcast %add3A_158 : i32 to vector<16xi32>
      %add3A_160 = arith.addi %add3A_157, %add3A_159 : vector<16xi32>
      %gather3A_161 = tpu.vector_load_idx %arg6[%add3A_160] : memref<32xf32, #tpu.memory_space<vmem>>[vector<16xi32>], vector<16xf32>,
      %swap3A_162 = arith.constant 1 : i32
      %swap3A_163 = arith.constant 0 : i32
      %swap3A_164 = arith.index_cast %swap3A_162 : i32 to index
      %swap3A_165 = arith.index_cast %swap3A_163 : i32 to index
      %swap3A_166 = arith.index_cast %mul3A_20 : i32 to index
      %swap3A_167 = tpu.vector_load %arg7[%swap3A_164, %swap3A_165, %swap3A_166] {strides = array<i32>} : memref<4x8x128xf32, #tpu.memory_space<vmem>>, vector<16xf32>,
      tpu.vector_store %arg7[%swap3A_164, %swap3A_165, %swap3A_166], %gather3A_161 {strides = array<i32>} : memref<4x8x128xf32, #tpu.memory_space<vmem>>, vector<16xf32>,
      %add3A_168 = arith.constant 1 : i32
      %add3A_169 = vector.broadcast %add3A_168 : i32 to vector<16xi32>
      %add3A_170 = arith.addi %add3A_157, %add3A_169 : vector<16xi32>
      %gather3A_171 = tpu.vector_load_idx %arg6[%add3A_170] : memref<32xf32, #tpu.memory_space<vmem>>[vector<16xi32>], vector<16xf32>,
      %swap3A_172 = arith.constant 1 : i32
      %swap3A_173 = arith.constant 1 : i32
      %swap3A_174 = arith.index_cast %swap3A_172 : i32 to index
      %swap3A_175 = arith.index_cast %swap3A_173 : i32 to index
      %swap3A_176 = arith.index_cast %mul3A_20 : i32 to index
      %swap3A_177 = tpu.vector_load %arg7[%swap3A_174, %swap3A_175, %swap3A_176] {strides = array<i32>} : memref<4x8x128xf32, #tpu.memory_space<vmem>>, vector<16xf32>,
      tpu.vector_store %arg7[%swap3A_174, %swap3A_175, %swap3A_176], %gather3A_171 {strides = array<i32>} : memref<4x8x128xf32, #tpu.memory_space<vmem>>, vector<16xf32>,
      %get3A_178 = arith.constant 1 : i32
      %get3A_179 = arith.constant 1 : i32
      %get3A_180 = arith.index_cast %get3A_178 : i32 to index
      %get3A_181 = arith.index_cast %get3A_179 : i32 to index
      %get3A_182 = arith.index_cast %mul3A_20 : i32 to index
      %get3A_183 = tpu.vector_load %arg5[%get3A_180, %get3A_181, %get3A_182] {strides = array<i32>} : memref<4x4x128xi32, #tpu.memory_space<vmem>>, vector<16xi32>,
      %mul3A_184 = arith.constant 2 : i32
      %mul3A_185 = vector.broadcast %mul3A_184 : i32 to vector<16xi32>
      %mul3A_186 = arith.muli %get3A_183, %mul3A_185 : vector<16xi32>
      %add3A_187 = arith.constant 4 : i32
      %add3A_188 = vector.broadcast %add3A_187 : i32 to vector<16xi32>
      %add3A_189 = arith.addi %mul3A_186, %add3A_188 : vector<16xi32>
      %add3A_190 = arith.constant 0 : i32
      %add3A_191 = vector.broadcast %add3A_190 : i32 to vector<16xi32>
      %add3A_192 = arith.addi %add3A_189, %add3A_191 : vector<16xi32>
      %gather3A_193 = tpu.vector_load_idx %arg6[%add3A_192] : memref<32xf32, #tpu.memory_space<vmem>>[vector<16xi32>], vector<16xf32>,
      %swap3A_194 = arith.constant 1 : i32
      %swap3A_195 = arith.constant 2 : i32
      %swap3A_196 = arith.index_cast %swap3A_194 : i32 to index
      %swap3A_197 = arith.index_cast %swap3A_195 : i32 to index
      %swap3A_198 = arith.index_cast %mul3A_20 : i32 to index
      %swap3A_199 = tpu.vector_load %arg7[%swap3A_196, %swap3A_197, %swap3A_198] {strides = array<i32>} : memref<4x8x128xf32, #tpu.memory_space<vmem>>, vector<16xf32>,
      tpu.vector_store %arg7[%swap3A_196, %swap3A_197, %swap3A_198], %gather3A_193 {strides = array<i32>} : memref<4x8x128xf32, #tpu.memory_space<vmem>>, vector<16xf32>,
      %add3A_200 = arith.constant 1 : i32
      %add3A_201 = vector.broadcast %add3A_200 : i32 to vector<16xi32>
      %add3A_202 = arith.addi %add3A_189, %add3A_201 : vector<16xi32>
      %gather3A_203 = tpu.vector_load_idx %arg6[%add3A_202] : memref<32xf32, #tpu.memory_space<vmem>>[vector<16xi32>], vector<16xf32>,
      %swap3A_204 = arith.constant 1 : i32
      %swap3A_205 = arith.constant 3 : i32
      %swap3A_206 = arith.index_cast %swap3A_204 : i32 to index
      %swap3A_207 = arith.index_cast %swap3A_205 : i32 to index
      %swap3A_208 = arith.index_cast %mul3A_20 : i32 to index
      %swap3A_209 = tpu.vector_load %arg7[%swap3A_206, %swap3A_207, %swap3A_208] {strides = array<i32>} : memref<4x8x128xf32, #tpu.memory_space<vmem>>, vector<16xf32>,
      tpu.vector_store %arg7[%swap3A_206, %swap3A_207, %swap3A_208], %gather3A_203 {strides = array<i32>} : memref<4x8x128xf32, #tpu.memory_space<vmem>>, vector<16xf32>,
      %get3A_210 = arith.constant 1 : i32
      %get3A_211 = arith.constant 2 : i32
      %get3A_212 = arith.index_cast %get3A_210 : i32 to index
      %get3A_213 = arith.index_cast %get3A_211 : i32 to index
      %get3A_214 = arith.index_cast %mul3A_20 : i32 to index
      %get3A_215 = tpu.vector_load %arg5[%get3A_212, %get3A_213, %get3A_214] {strides = array<i32>} : memref<4x4x128xi32, #tpu.memory_space<vmem>>, vector<16xi32>,
      %mul3A_216 = arith.constant 2 : i32
      %mul3A_217 = vector.broadcast %mul3A_216 : i32 to vector<16xi32>
      %mul3A_218 = arith.muli %get3A_215, %mul3A_217 : vector<16xi32>
      %add3A_219 = arith.constant 12 : i32
      %add3A_220 = vector.broadcast %add3A_219 : i32 to vector<16xi32>
      %add3A_221 = arith.addi %mul3A_218, %add3A_220 : vector<16xi32>
      %add3A_222 = arith.constant 0 : i32
      %add3A_223 = vector.broadcast %add3A_222 : i32 to vector<16xi32>
      %add3A_224 = arith.addi %add3A_221, %add3A_223 : vector<16xi32>
      %gather3A_225 = tpu.vector_load_idx %arg6[%add3A_224] : memref<32xf32, #tpu.memory_space<vmem>>[vector<16xi32>], vector<16xf32>,
      %swap3A_226 = arith.constant 1 : i32
      %swap3A_227 = arith.constant 4 : i32
      %swap3A_228 = arith.index_cast %swap3A_226 : i32 to index
      %swap3A_229 = arith.index_cast %swap3A_227 : i32 to index
      %swap3A_230 = arith.index_cast %mul3A_20 : i32 to index
      %swap3A_231 = tpu.vector_load %arg7[%swap3A_228, %swap3A_229, %swap3A_230] {strides = array<i32>} : memref<4x8x128xf32, #tpu.memory_space<vmem>>, vector<16xf32>,
      tpu.vector_store %arg7[%swap3A_228, %swap3A_229, %swap3A_230], %gather3A_225 {strides = array<i32>} : memref<4x8x128xf32, #tpu.memory_space<vmem>>, vector<16xf32>,
      %add3A_232 = arith.constant 1 : i32
      %add3A_233 = vector.broadcast %add3A_232 : i32 to vector<16xi32>
      %add3A_234 = arith.addi %add3A_221, %add3A_233 : vector<16xi32>
      %gather3A_235 = tpu.vector_load_idx %arg6[%add3A_234] : memref<32xf32, #tpu.memory_space<vmem>>[vector<16xi32>], vector<16xf32>,
      %swap3A_236 = arith.constant 1 : i32
      %swap3A_237 = arith.constant 5 : i32
      %swap3A_238 = arith.index_cast %swap3A_236 : i32 to index
      %swap3A_239 = arith.index_cast %swap3A_237 : i32 to index
      %swap3A_240 = arith.index_cast %mul3A_20 : i32 to index
      %swap3A_241 = tpu.vector_load %arg7[%swap3A_238, %swap3A_239, %swap3A_240] {strides = array<i32>} : memref<4x8x128xf32, #tpu.memory_space<vmem>>, vector<16xf32>,
      tpu.vector_store %arg7[%swap3A_238, %swap3A_239, %swap3A_240], %gather3A_235 {strides = array<i32>} : memref<4x8x128xf32, #tpu.memory_space<vmem>>, vector<16xf32>,
      %get3A_242 = arith.constant 1 : i32
      %get3A_243 = arith.constant 3 : i32
      %get3A_244 = arith.index_cast %get3A_242 : i32 to index
      %get3A_245 = arith.index_cast %get3A_243 : i32 to index
      %get3A_246 = arith.index_cast %mul3A_20 : i32 to index
      %get3A_247 = tpu.vector_load %arg5[%get3A_244, %get3A_245, %get3A_246] {strides = array<i32>} : memref<4x4x128xi32, #tpu.memory_space<vmem>>, vector<16xi32>,
      %mul3A_248 = arith.constant 2 : i32
      %mul3A_249 = vector.broadcast %mul3A_248 : i32 to vector<16xi32>
      %mul3A_250 = arith.muli %get3A_247, %mul3A_249 : vector<16xi32>
      %add3A_251 = arith.constant 28 : i32
      %add3A_252 = vector.broadcast %add3A_251 : i32 to vector<16xi32>
      %add3A_253 = arith.addi %mul3A_250, %add3A_252 : vector<16xi32>
      %add3A_254 = arith.constant 0 : i32
      %add3A_255 = vector.broadcast %add3A_254 : i32 to vector<16xi32>
      %add3A_256 = arith.addi %add3A_253, %add3A_255 : vector<16xi32>
      %gather3A_257 = tpu.vector_load_idx %arg6[%add3A_256] : memref<32xf32, #tpu.memory_space<vmem>>[vector<16xi32>], vector<16xf32>,
      %swap3A_258 = arith.constant 1 : i32
      %swap3A_259 = arith.constant 6 : i32
      %swap3A_260 = arith.index_cast %swap3A_258 : i32 to index
      %swap3A_261 = arith.index_cast %swap3A_259 : i32 to index
      %swap3A_262 = arith.index_cast %mul3A_20 : i32 to index
      %swap3A_263 = tpu.vector_load %arg7[%swap3A_260, %swap3A_261, %swap3A_262] {strides = array<i32>} : memref<4x8x128xf32, #tpu.memory_space<vmem>>, vector<16xf32>,
      tpu.vector_store %arg7[%swap3A_260, %swap3A_261, %swap3A_262], %gather3A_257 {strides = array<i32>} : memref<4x8x128xf32, #tpu.memory_space<vmem>>, vector<16xf32>,
      %add3A_264 = arith.constant 1 : i32
      %add3A_265 = vector.broadcast %add3A_264 : i32 to vector<16xi32>
      %add3A_266 = arith.addi %add3A_253, %add3A_265 : vector<16xi32>
      %gather3A_267 = tpu.vector_load_idx %arg6[%add3A_266] : memref<32xf32, #tpu.memory_space<vmem>>[vector<16xi32>], vector<16xf32>,
      %swap3A_268 = arith.constant 1 : i32
      %swap3A_269 = arith.constant 7 : i32
      %swap3A_270 = arith.index_cast %swap3A_268 : i32 to index
      %swap3A_271 = arith.index_cast %swap3A_269 : i32 to index
      %swap3A_272 = arith.index_cast %mul3A_20 : i32 to index
      %swap3A_273 = tpu.vector_load %arg7[%swap3A_270, %swap3A_271, %swap3A_272] {strides = array<i32>} : memref<4x8x128xf32, #tpu.memory_space<vmem>>, vector<16xf32>,
      tpu.vector_store %arg7[%swap3A_270, %swap3A_271, %swap3A_272], %gather3A_267 {strides = array<i32>} : memref<4x8x128xf32, #tpu.memory_space<vmem>>, vector<16xf32>,
      %get3A_274 = arith.constant 2 : i32
      %get3A_275 = arith.constant 0 : i32
      %get3A_276 = arith.index_cast %get3A_274 : i32 to index
      %get3A_277 = arith.index_cast %get3A_275 : i32 to index
      %get3A_278 = arith.index_cast %mul3A_20 : i32 to index
      %get3A_279 = tpu.vector_load %arg5[%get3A_276, %get3A_277, %get3A_278] {strides = array<i32>} : memref<4x4x128xi32, #tpu.memory_space<vmem>>, vector<16xi32>,
      %mul3A_280 = arith.constant 2 : i32
      %mul3A_281 = vector.broadcast %mul3A_280 : i32 to vector<16xi32>
      %mul3A_282 = arith.muli %get3A_279, %mul3A_281 : vector<16xi32>
      %add3A_283 = arith.constant 0 : i32
      %add3A_284 = vector.broadcast %add3A_283 : i32 to vector<16xi32>
      %add3A_285 = arith.addi %mul3A_282, %add3A_284 : vector<16xi32>
      %add3A_286 = arith.constant 0 : i32
      %add3A_287 = vector.broadcast %add3A_286 : i32 to vector<16xi32>
      %add3A_288 = arith.addi %add3A_285, %add3A_287 : vector<16xi32>
      %gather3A_289 = tpu.vector_load_idx %arg6[%add3A_288] : memref<32xf32, #tpu.memory_space<vmem>>[vector<16xi32>], vector<16xf32>,
      %swap3A_290 = arith.constant 2 : i32
      %swap3A_291 = arith.constant 0 : i32
      %swap3A_292 = arith.index_cast %swap3A_290 : i32 to index
      %swap3A_293 = arith.index_cast %swap3A_291 : i32 to index
      %swap3A_294 = arith.index_cast %mul3A_20 : i32 to index
      %swap3A_295 = tpu.vector_load %arg7[%swap3A_292, %swap3A_293, %swap3A_294] {strides = array<i32>} : memref<4x8x128xf32, #tpu.memory_space<vmem>>, vector<16xf32>,
      tpu.vector_store %arg7[%swap3A_292, %swap3A_293, %swap3A_294], %gather3A_289 {strides = array<i32>} : memref<4x8x128xf32, #tpu.memory_space<vmem>>, vector<16xf32>,
      %add3A_296 = arith.constant 1 : i32
      %add3A_297 = vector.broadcast %add3A_296 : i32 to vector<16xi32>
      %add3A_298 = arith.addi %add3A_285, %add3A_297 : vector<16xi32>
      %gather3A_299 = tpu.vector_load_idx %arg6[%add3A_298] : memref<32xf32, #tpu.memory_space<vmem>>[vector<16xi32>], vector<16xf32>,
      %swap3A_300 = arith.constant 2 : i32
      %swap3A_301 = arith.constant 1 : i32
      %swap3A_302 = arith.index_cast %swap3A_300 : i32 to index
      %swap3A_303 = arith.index_cast %swap3A_301 : i32 to index
      %swap3A_304 = arith.index_cast %mul3A_20 : i32 to index
      %swap3A_305 = tpu.vector_load %arg7[%swap3A_302, %swap3A_303, %swap3A_304] {strides = array<i32>} : memref<4x8x128xf32, #tpu.memory_space<vmem>>, vector<16xf32>,
      tpu.vector_store %arg7[%swap3A_302, %swap3A_303, %swap3A_304], %gather3A_299 {strides = array<i32>} : memref<4x8x128xf32, #tpu.memory_space<vmem>>, vector<16xf32>,
      %get3A_306 = arith.constant 2 : i32
      %get3A_307 = arith.constant 1 : i32
      %get3A_308 = arith.index_cast %get3A_306 : i32 to index
      %get3A_309 = arith.index_cast %get3A_307 : i32 to index
      %get3A_310 = arith.index_cast %mul3A_20 : i32 to index
      %get3A_311 = tpu.vector_load %arg5[%get3A_308, %get3A_309, %get3A_310] {strides = array<i32>} : memref<4x4x128xi32, #tpu.memory_space<vmem>>, vector<16xi32>,
      %mul3A_312 = arith.constant 2 : i32
      %mul3A_313 = vector.broadcast %mul3A_312 : i32 to vector<16xi32>
      %mul3A_314 = arith.muli %get3A_311, %mul3A_313 : vector<16xi32>
      %add3A_315 = arith.constant 4 : i32
      %add3A_316 = vector.broadcast %add3A_315 : i32 to vector<16xi32>
      %add3A_317 = arith.addi %mul3A_314, %add3A_316 : vector<16xi32>
      %add3A_318 = arith.constant 0 : i32
      %add3A_319 = vector.broadcast %add3A_318 : i32 to vector<16xi32>
      %add3A_320 = arith.addi %add3A_317, %add3A_319 : vector<16xi32>
      %gather3A_321 = tpu.vector_load_idx %arg6[%add3A_320] : memref<32xf32, #tpu.memory_space<vmem>>[vector<16xi32>], vector<16xf32>,
      %swap3A_322 = arith.constant 2 : i32
      %swap3A_323 = arith.constant 2 : i32
      %swap3A_324 = arith.index_cast %swap3A_322 : i32 to index
      %swap3A_325 = arith.index_cast %swap3A_323 : i32 to index
      %swap3A_326 = arith.index_cast %mul3A_20 : i32 to index
      %swap3A_327 = tpu.vector_load %arg7[%swap3A_324, %swap3A_325, %swap3A_326] {strides = array<i32>} : memref<4x8x128xf32, #tpu.memory_space<vmem>>, vector<16xf32>,
      tpu.vector_store %arg7[%swap3A_324, %swap3A_325, %swap3A_326], %gather3A_321 {strides = array<i32>} : memref<4x8x128xf32, #tpu.memory_space<vmem>>, vector<16xf32>,
      %add3A_328 = arith.constant 1 : i32
      %add3A_329 = vector.broadcast %add3A_328 : i32 to vector<16xi32>
      %add3A_330 = arith.addi %add3A_317, %add3A_329 : vector<16xi32>
      %gather3A_331 = tpu.vector_load_idx %arg6[%add3A_330] : memref<32xf32, #tpu.memory_space<vmem>>[vector<16xi32>], vector<16xf32>,
      %swap3A_332 = arith.constant 2 : i32
      %swap3A_333 = arith.constant 3 : i32
      %swap3A_334 = arith.index_cast %swap3A_332 : i32 to index
      %swap3A_335 = arith.index_cast %swap3A_333 : i32 to index
      %swap3A_336 = arith.index_cast %mul3A_20 : i32 to index
      %swap3A_337 = tpu.vector_load %arg7[%swap3A_334, %swap3A_335, %swap3A_336] {strides = array<i32>} : memref<4x8x128xf32, #tpu.memory_space<vmem>>, vector<16xf32>,
      tpu.vector_store %arg7[%swap3A_334, %swap3A_335, %swap3A_336], %gather3A_331 {strides = array<i32>} : memref<4x8x128xf32, #tpu.memory_space<vmem>>, vector<16xf32>,
      %get3A_338 = arith.constant 2 : i32
      %get3A_339 = arith.constant 2 : i32
      %get3A_340 = arith.index_cast %get3A_338 : i32 to index
      %get3A_341 = arith.index_cast %get3A_339 : i32 to index
      %get3A_342 = arith.index_cast %mul3A_20 : i32 to index
      %get3A_343 = tpu.vector_load %arg5[%get3A_340, %get3A_341, %get3A_342] {strides = array<i32>} : memref<4x4x128xi32, #tpu.memory_space<vmem>>, vector<16xi32>,
      %mul3A_344 = arith.constant 2 : i32
      %mul3A_345 = vector.broadcast %mul3A_344 : i32 to vector<16xi32>
      %mul3A_346 = arith.muli %get3A_343, %mul3A_345 : vector<16xi32>
      %add3A_347 = arith.constant 12 : i32
      %add3A_348 = vector.broadcast %add3A_347 : i32 to vector<16xi32>
      %add3A_349 = arith.addi %mul3A_346, %add3A_348 : vector<16xi32>
      %add3A_350 = arith.constant 0 : i32
      %add3A_351 = vector.broadcast %add3A_350 : i32 to vector<16xi32>
      %add3A_352 = arith.addi %add3A_349, %add3A_351 : vector<16xi32>
      %gather3A_353 = tpu.vector_load_idx %arg6[%add3A_352] : memref<32xf32, #tpu.memory_space<vmem>>[vector<16xi32>], vector<16xf32>,
      %swap3A_354 = arith.constant 2 : i32
      %swap3A_355 = arith.constant 4 : i32
      %swap3A_356 = arith.index_cast %swap3A_354 : i32 to index
      %swap3A_357 = arith.index_cast %swap3A_355 : i32 to index
      %swap3A_358 = arith.index_cast %mul3A_20 : i32 to index
      %swap3A_359 = tpu.vector_load %arg7[%swap3A_356, %swap3A_357, %swap3A_358] {strides = array<i32>} : memref<4x8x128xf32, #tpu.memory_space<vmem>>, vector<16xf32>,
      tpu.vector_store %arg7[%swap3A_356, %swap3A_357, %swap3A_358], %gather3A_353 {strides = array<i32>} : memref<4x8x128xf32, #tpu.memory_space<vmem>>, vector<16xf32>,
      %add3A_360 = arith.constant 1 : i32
      %add3A_361 = vector.broadcast %add3A_360 : i32 to vector<16xi32>
      %add3A_362 = arith.addi %add3A_349, %add3A_361 : vector<16xi32>
      %gather3A_363 = tpu.vector_load_idx %arg6[%add3A_362] : memref<32xf32, #tpu.memory_space<vmem>>[vector<16xi32>], vector<16xf32>,
      %swap3A_364 = arith.constant 2 : i32
      %swap3A_365 = arith.constant 5 : i32
      %swap3A_366 = arith.index_cast %swap3A_364 : i32 to index
      %swap3A_367 = arith.index_cast %swap3A_365 : i32 to index
      %swap3A_368 = arith.index_cast %mul3A_20 : i32 to index
      %swap3A_369 = tpu.vector_load %arg7[%swap3A_366, %swap3A_367, %swap3A_368] {strides = array<i32>} : memref<4x8x128xf32, #tpu.memory_space<vmem>>, vector<16xf32>,
      tpu.vector_store %arg7[%swap3A_366, %swap3A_367, %swap3A_368], %gather3A_363 {strides = array<i32>} : memref<4x8x128xf32, #tpu.memory_space<vmem>>, vector<16xf32>,
      %get3A_370 = arith.constant 2 : i32
      %get3A_371 = arith.constant 3 : i32
      %get3A_372 = arith.index_cast %get3A_370 : i32 to index
      %get3A_373 = arith.index_cast %get3A_371 : i32 to index
      %get3A_374 = arith.index_cast %mul3A_20 : i32 to index
      %get3A_375 = tpu.vector_load %arg5[%get3A_372, %get3A_373, %get3A_374] {strides = array<i32>} : memref<4x4x128xi32, #tpu.memory_space<vmem>>, vector<16xi32>,
      %mul3A_376 = arith.constant 2 : i32
      %mul3A_377 = vector.broadcast %mul3A_376 : i32 to vector<16xi32>
      %mul3A_378 = arith.muli %get3A_375, %mul3A_377 : vector<16xi32>
      %add3A_379 = arith.constant 28 : i32
      %add3A_380 = vector.broadcast %add3A_379 : i32 to vector<16xi32>
      %add3A_381 = arith.addi %mul3A_378, %add3A_380 : vector<16xi32>
      %add3A_382 = arith.constant 0 : i32
      %add3A_383 = vector.broadcast %add3A_382 : i32 to vector<16xi32>
      %add3A_384 = arith.addi %add3A_381, %add3A_383 : vector<16xi32>
      %gather3A_385 = tpu.vector_load_idx %arg6[%add3A_384] : memref<32xf32, #tpu.memory_space<vmem>>[vector<16xi32>], vector<16xf32>,
      %swap3A_386 = arith.constant 2 : i32
      %swap3A_387 = arith.constant 6 : i32
      %swap3A_388 = arith.index_cast %swap3A_386 : i32 to index
      %swap3A_389 = arith.index_cast %swap3A_387 : i32 to index
      %swap3A_390 = arith.index_cast %mul3A_20 : i32 to index
      %swap3A_391 = tpu.vector_load %arg7[%swap3A_388, %swap3A_389, %swap3A_390] {strides = array<i32>} : memref<4x8x128xf32, #tpu.memory_space<vmem>>, vector<16xf32>,
      tpu.vector_store %arg7[%swap3A_388, %swap3A_389, %swap3A_390], %gather3A_385 {strides = array<i32>} : memref<4x8x128xf32, #tpu.memory_space<vmem>>, vector<16xf32>,
      %add3A_392 = arith.constant 1 : i32
      %add3A_393 = vector.broadcast %add3A_392 : i32 to vector<16xi32>
      %add3A_394 = arith.addi %add3A_381, %add3A_393 : vector<16xi32>
      %gather3A_395 = tpu.vector_load_idx %arg6[%add3A_394] : memref<32xf32, #tpu.memory_space<vmem>>[vector<16xi32>], vector<16xf32>,
      %swap3A_396 = arith.constant 2 : i32
      %swap3A_397 = arith.constant 7 : i32
      %swap3A_398 = arith.index_cast %swap3A_396 : i32 to index
      %swap3A_399 = arith.index_cast %swap3A_397 : i32 to index
      %swap3A_400 = arith.index_cast %mul3A_20 : i32 to index
      %swap3A_401 = tpu.vector_load %arg7[%swap3A_398, %swap3A_399, %swap3A_400] {strides = array<i32>} : memref<4x8x128xf32, #tpu.memory_space<vmem>>, vector<16xf32>,
      tpu.vector_store %arg7[%swap3A_398, %swap3A_399, %swap3A_400], %gather3A_395 {strides = array<i32>} : memref<4x8x128xf32, #tpu.memory_space<vmem>>, vector<16xf32>,
      %get3A_402 = arith.constant 3 : i32
      %get3A_403 = arith.constant 0 : i32
      %get3A_404 = arith.index_cast %get3A_402 : i32 to index
      %get3A_405 = arith.index_cast %get3A_403 : i32 to index
      %get3A_406 = arith.index_cast %mul3A_20 : i32 to index
      %get3A_407 = tpu.vector_load %arg5[%get3A_404, %get3A_405, %get3A_406] {strides = array<i32>} : memref<4x4x128xi32, #tpu.memory_space<vmem>>, vector<16xi32>,
      %mul3A_408 = arith.constant 2 : i32
      %mul3A_409 = vector.broadcast %mul3A_408 : i32 to vector<16xi32>
      %mul3A_410 = arith.muli %get3A_407, %mul3A_409 : vector<16xi32>
      %add3A_411 = arith.constant 0 : i32
      %add3A_412 = vector.broadcast %add3A_411 : i32 to vector<16xi32>
      %add3A_413 = arith.addi %mul3A_410, %add3A_412 : vector<16xi32>
      %add3A_414 = arith.constant 0 : i32
      %add3A_415 = vector.broadcast %add3A_414 : i32 to vector<16xi32>
      %add3A_416 = arith.addi %add3A_413, %add3A_415 : vector<16xi32>
      %gather3A_417 = tpu.vector_load_idx %arg6[%add3A_416] : memref<32xf32, #tpu.memory_space<vmem>>[vector<16xi32>], vector<16xf32>,
      %swap3A_418 = arith.constant 3 : i32
      %swap3A_419 = arith.constant 0 : i32
      %swap3A_420 = arith.index_cast %swap3A_418 : i32 to index
      %swap3A_421 = arith.index_cast %swap3A_419 : i32 to index
      %swap3A_422 = arith.index_cast %mul3A_20 : i32 to index
      %swap3A_423 = tpu.vector_load %arg7[%swap3A_420, %swap3A_421, %swap3A_422] {strides = array<i32>} : memref<4x8x128xf32, #tpu.memory_space<vmem>>, vector<16xf32>,
      tpu.vector_store %arg7[%swap3A_420, %swap3A_421, %swap3A_422], %gather3A_417 {strides = array<i32>} : memref<4x8x128xf32, #tpu.memory_space<vmem>>, vector<16xf32>,
      %add3A_424 = arith.constant 1 : i32
      %add3A_425 = vector.broadcast %add3A_424 : i32 to vector<16xi32>
      %add3A_426 = arith.addi %add3A_413, %add3A_425 : vector<16xi32>
      %gather3A_427 = tpu.vector_load_idx %arg6[%add3A_426] : memref<32xf32, #tpu.memory_space<vmem>>[vector<16xi32>], vector<16xf32>,
      %swap3A_428 = arith.constant 3 : i32
      %swap3A_429 = arith.constant 1 : i32
      %swap3A_430 = arith.index_cast %swap3A_428 : i32 to index
      %swap3A_431 = arith.index_cast %swap3A_429 : i32 to index
      %swap3A_432 = arith.index_cast %mul3A_20 : i32 to index
      %swap3A_433 = tpu.vector_load %arg7[%swap3A_430, %swap3A_431, %swap3A_432] {strides = array<i32>} : memref<4x8x128xf32, #tpu.memory_space<vmem>>, vector<16xf32>,
      tpu.vector_store %arg7[%swap3A_430, %swap3A_431, %swap3A_432], %gather3A_427 {strides = array<i32>} : memref<4x8x128xf32, #tpu.memory_space<vmem>>, vector<16xf32>,
      %get3A_434 = arith.constant 3 : i32
      %get3A_435 = arith.constant 1 : i32
      %get3A_436 = arith.index_cast %get3A_434 : i32 to index
      %get3A_437 = arith.index_cast %get3A_435 : i32 to index
      %get3A_438 = arith.index_cast %mul3A_20 : i32 to index
      %get3A_439 = tpu.vector_load %arg5[%get3A_436, %get3A_437, %get3A_438] {strides = array<i32>} : memref<4x4x128xi32, #tpu.memory_space<vmem>>, vector<16xi32>,
      %mul3A_440 = arith.constant 2 : i32
      %mul3A_441 = vector.broadcast %mul3A_440 : i32 to vector<16xi32>
      %mul3A_442 = arith.muli %get3A_439, %mul3A_441 : vector<16xi32>
      %add3A_443 = arith.constant 4 : i32
      %add3A_444 = vector.broadcast %add3A_443 : i32 to vector<16xi32>
      %add3A_445 = arith.addi %mul3A_442, %add3A_444 : vector<16xi32>
      %add3A_446 = arith.constant 0 : i32
      %add3A_447 = vector.broadcast %add3A_446 : i32 to vector<16xi32>
      %add3A_448 = arith.addi %add3A_445, %add3A_447 : vector<16xi32>
      %gather3A_449 = tpu.vector_load_idx %arg6[%add3A_448] : memref<32xf32, #tpu.memory_space<vmem>>[vector<16xi32>], vector<16xf32>,
      %swap3A_450 = arith.constant 3 : i32
      %swap3A_451 = arith.constant 2 : i32
      %swap3A_452 = arith.index_cast %swap3A_450 : i32 to index
      %swap3A_453 = arith.index_cast %swap3A_451 : i32 to index
      %swap3A_454 = arith.index_cast %mul3A_20 : i32 to index
      %swap3A_455 = tpu.vector_load %arg7[%swap3A_452, %swap3A_453, %swap3A_454] {strides = array<i32>} : memref<4x8x128xf32, #tpu.memory_space<vmem>>, vector<16xf32>,
      tpu.vector_store %arg7[%swap3A_452, %swap3A_453, %swap3A_454], %gather3A_449 {strides = array<i32>} : memref<4x8x128xf32, #tpu.memory_space<vmem>>, vector<16xf32>,
      %add3A_456 = arith.constant 1 : i32
      %add3A_457 = vector.broadcast %add3A_456 : i32 to vector<16xi32>
      %add3A_458 = arith.addi %add3A_445, %add3A_457 : vector<16xi32>
      %gather3A_459 = tpu.vector_load_idx %arg6[%add3A_458] : memref<32xf32, #tpu.memory_space<vmem>>[vector<16xi32>], vector<16xf32>,
      %swap3A_460 = arith.constant 3 : i32
      %swap3A_461 = arith.constant 3 : i32
      %swap3A_462 = arith.index_cast %swap3A_460 : i32 to index
      %swap3A_463 = arith.index_cast %swap3A_461 : i32 to index
      %swap3A_464 = arith.index_cast %mul3A_20 : i32 to index
      %swap3A_465 = tpu.vector_load %arg7[%swap3A_462, %swap3A_463, %swap3A_464] {strides = array<i32>} : memref<4x8x128xf32, #tpu.memory_space<vmem>>, vector<16xf32>,
      tpu.vector_store %arg7[%swap3A_462, %swap3A_463, %swap3A_464], %gather3A_459 {strides = array<i32>} : memref<4x8x128xf32, #tpu.memory_space<vmem>>, vector<16xf32>,
      %get3A_466 = arith.constant 3 : i32
      %get3A_467 = arith.constant 2 : i32
      %get3A_468 = arith.index_cast %get3A_466 : i32 to index
      %get3A_469 = arith.index_cast %get3A_467 : i32 to index
      %get3A_470 = arith.index_cast %mul3A_20 : i32 to index
      %get3A_471 = tpu.vector_load %arg5[%get3A_468, %get3A_469, %get3A_470] {strides = array<i32>} : memref<4x4x128xi32, #tpu.memory_space<vmem>>, vector<16xi32>,
      %mul3A_472 = arith.constant 2 : i32
      %mul3A_473 = vector.broadcast %mul3A_472 : i32 to vector<16xi32>
      %mul3A_474 = arith.muli %get3A_471, %mul3A_473 : vector<16xi32>
      %add3A_475 = arith.constant 12 : i32
      %add3A_476 = vector.broadcast %add3A_475 : i32 to vector<16xi32>
      %add3A_477 = arith.addi %mul3A_474, %add3A_476 : vector<16xi32>
      %add3A_478 = arith.constant 0 : i32
      %add3A_479 = vector.broadcast %add3A_478 : i32 to vector<16xi32>
      %add3A_480 = arith.addi %add3A_477, %add3A_479 : vector<16xi32>
      %gather3A_481 = tpu.vector_load_idx %arg6[%add3A_480] : memref<32xf32, #tpu.memory_space<vmem>>[vector<16xi32>], vector<16xf32>,
      %swap3A_482 = arith.constant 3 : i32
      %swap3A_483 = arith.constant 4 : i32
      %swap3A_484 = arith.index_cast %swap3A_482 : i32 to index
      %swap3A_485 = arith.index_cast %swap3A_483 : i32 to index
      %swap3A_486 = arith.index_cast %mul3A_20 : i32 to index
      %swap3A_487 = tpu.vector_load %arg7[%swap3A_484, %swap3A_485, %swap3A_486] {strides = array<i32>} : memref<4x8x128xf32, #tpu.memory_space<vmem>>, vector<16xf32>,
      tpu.vector_store %arg7[%swap3A_484, %swap3A_485, %swap3A_486], %gather3A_481 {strides = array<i32>} : memref<4x8x128xf32, #tpu.memory_space<vmem>>, vector<16xf32>,
      %add3A_488 = arith.constant 1 : i32
      %add3A_489 = vector.broadcast %add3A_488 : i32 to vector<16xi32>
      %add3A_490 = arith.addi %add3A_477, %add3A_489 : vector<16xi32>
      %gather3A_491 = tpu.vector_load_idx %arg6[%add3A_490] : memref<32xf32, #tpu.memory_space<vmem>>[vector<16xi32>], vector<16xf32>,
      %swap3A_492 = arith.constant 3 : i32
      %swap3A_493 = arith.constant 5 : i32
      %swap3A_494 = arith.index_cast %swap3A_492 : i32 to index
      %swap3A_495 = arith.index_cast %swap3A_493 : i32 to index
      %swap3A_496 = arith.index_cast %mul3A_20 : i32 to index
      %swap3A_497 = tpu.vector_load %arg7[%swap3A_494, %swap3A_495, %swap3A_496] {strides = array<i32>} : memref<4x8x128xf32, #tpu.memory_space<vmem>>, vector<16xf32>,
      tpu.vector_store %arg7[%swap3A_494, %swap3A_495, %swap3A_496], %gather3A_491 {strides = array<i32>} : memref<4x8x128xf32, #tpu.memory_space<vmem>>, vector<16xf32>,
      %get3A_498 = arith.constant 3 : i32
      %get3A_499 = arith.constant 3 : i32
      %get3A_500 = arith.index_cast %get3A_498 : i32 to index
      %get3A_501 = arith.index_cast %get3A_499 : i32 to index
      %get3A_502 = arith.index_cast %mul3A_20 : i32 to index
      %get3A_503 = tpu.vector_load %arg5[%get3A_500, %get3A_501, %get3A_502] {strides = array<i32>} : memref<4x4x128xi32, #tpu.memory_space<vmem>>, vector<16xi32>,
      %mul3A_504 = arith.constant 2 : i32
      %mul3A_505 = vector.broadcast %mul3A_504 : i32 to vector<16xi32>
      %mul3A_506 = arith.muli %get3A_503, %mul3A_505 : vector<16xi32>
      %add3A_507 = arith.constant 28 : i32
      %add3A_508 = vector.broadcast %add3A_507 : i32 to vector<16xi32>
      %add3A_509 = arith.addi %mul3A_506, %add3A_508 : vector<16xi32>
      %add3A_510 = arith.constant 0 : i32
      %add3A_511 = vector.broadcast %add3A_510 : i32 to vector<16xi32>
      %add3A_512 = arith.addi %add3A_509, %add3A_511 : vector<16xi32>
      %gather3A_513 = tpu.vector_load_idx %arg6[%add3A_512] : memref<32xf32, #tpu.memory_space<vmem>>[vector<16xi32>], vector<16xf32>,
      %swap3A_514 = arith.constant 3 : i32
      %swap3A_515 = arith.constant 6 : i32
      %swap3A_516 = arith.index_cast %swap3A_514 : i32 to index
      %swap3A_517 = arith.index_cast %swap3A_515 : i32 to index
      %swap3A_518 = arith.index_cast %mul3A_20 : i32 to index
      %swap3A_519 = tpu.vector_load %arg7[%swap3A_516, %swap3A_517, %swap3A_518] {strides = array<i32>} : memref<4x8x128xf32, #tpu.memory_space<vmem>>, vector<16xf32>,
      tpu.vector_store %arg7[%swap3A_516, %swap3A_517, %swap3A_518], %gather3A_513 {strides = array<i32>} : memref<4x8x128xf32, #tpu.memory_space<vmem>>, vector<16xf32>,
      %add3A_520 = arith.constant 1 : i32
      %add3A_521 = vector.broadcast %add3A_520 : i32 to vector<16xi32>
      %add3A_522 = arith.addi %add3A_509, %add3A_521 : vector<16xi32>
      %gather3A_523 = tpu.vector_load_idx %arg6[%add3A_522] : memref<32xf32, #tpu.memory_space<vmem>>[vector<16xi32>], vector<16xf32>,
      %swap3A_524 = arith.constant 3 : i32
      %swap3A_525 = arith.constant 7 : i32
      %swap3A_526 = arith.index_cast %swap3A_524 : i32 to index
      %swap3A_527 = arith.index_cast %swap3A_525 : i32 to index
      %swap3A_528 = arith.index_cast %mul3A_20 : i32 to index
      %swap3A_529 = tpu.vector_load %arg7[%swap3A_526, %swap3A_527, %swap3A_528] {strides = array<i32>} : memref<4x8x128xf32, #tpu.memory_space<vmem>>, vector<16xf32>,
      tpu.vector_store %arg7[%swap3A_526, %swap3A_527, %swap3A_528], %gather3A_523 {strides = array<i32>} : memref<4x8x128xf32, #tpu.memory_space<vmem>>, vector<16xf32>,
    }
    %scan3A_17 = arith.constant 8 : i32
    "tpu.region"() ({
      %run_scoped3A = tpu.sem_alloc : memref<!tpu.dma_semaphore, #tpu.memory_space<semaphore_mem>>
      %dma_start3A_18 = arith.constant 0 : i32
      %dma_start3A_19 = arith.constant 0 : i32
      %dma_start3A_20 = tpu.memref_slice %arg4[%mul3A_2, %dma_start3A_18, %dma_start3A_19] : memref<128x8x128xf32, #tpu.memory_space<hbm>> -> memref<4x8x128xf32, #tpu.memory_space<hbm>>
      %dma_start3A_21 = arith.constant 0 : i32
      %dma_start3A_22 = arith.constant 0 : i32
      %dma_start3A_23 = tpu.memref_slice %arg4[%mul3A_2, %dma_start3A_21, %dma_start3A_22] : memref<128x8x128xf32, #tpu.memory_space<hbm>> -> memref<4x8x128xf32, #tpu.memory_space<hbm>>
      tpu.enqueue_dma source(%arg7 : memref<4x8x128xf32, #tpu.memory_space<vmem>>) target(%dma_start3A_23 : memref<4x8x128xf32, #tpu.memory_space<hbm>>) target_semaphore(%run_scoped3A : memref<!tpu.dma_semaphore, #tpu.memory_space<semaphore_mem>>)
      %dma_wait3A_24 = arith.constant 0 : i32
      %dma_wait3A_25 = arith.constant 0 : i32
      %dma_wait3A_26 = tpu.memref_slice %arg4[%mul3A_2, %dma_wait3A_24, %dma_wait3A_25] : memref<128x8x128xf32, #tpu.memory_space<hbm>> -> memref<4x8x128xf32, #tpu.memory_space<hbm>>
      %dma_wait3A_27 = arith.constant 0 : i32
      %dma_wait3A_28 = arith.constant 0 : i32
      %dma_wait3A_29 = tpu.memref_slice %arg4[%mul3A_2, %dma_wait3A_27, %dma_wait3A_28] : memref<128x8x128xf32, #tpu.memory_space<hbm>> -> memref<4x8x128xf32, #tpu.memory_space<hbm>>
      tpu.wait_dma2 semaphore(%run_scoped3A : memref<!tpu.dma_semaphore, #tpu.memory_space<semaphore_mem>>) src(%arg7 : memref<4x8x128xf32, #tpu.memory_space<vmem>>) dst(%dma_wait3A_29 : memref<4x8x128xf32, #tpu.memory_space<hbm>>)
      tpu.yield
    }) : () -> ()
    return
  }
}

module attributes {stable_mosaic.version = 14 : i64} {
  func.func @_fuse_tables(%arg0: memref<2x2xf32, #tpu.memory_space<vmem>>, %arg1: memref<2x4xf32, #tpu.memory_space<vmem>>, %arg2: memref<2x8xf32, #tpu.memory_space<vmem>>, %arg3: memref<2x2xf32, #tpu.memory_space<vmem>>, %arg4: memref<32xf32, #tpu.memory_space<vmem>>) attributes {dimension_semantics = [], scalar_prefetch = 0 : i64, scratch_operands = 0 : i64, tpu.core_type = #tpu.core_type<tc>} {
    %get3A = arith.constant 0 : index
    %get3A_0 = arith.constant 0 : index
    %get3A_1 = vector.load %arg0[%get3A, %get3A_0] : memref<2x2xf32, #tpu.memory_space<vmem>>, vector<2x2xf32>
    %iota3A = tpu.iota {dimensions = array<i32: 0>} : vector<2x2x32xi32>
    %iota3A_2 = tpu.iota {dimensions = array<i32: 1>} : vector<2x2x32xi32>
    %iota3A_3 = tpu.iota {dimensions = array<i32: 2>} : vector<2x2x32xi32>
    %mul3A = arith.constant 2 : i32
    %mul3A_4 = vector.broadcast %mul3A : i32 to vector<2x2x32xi32>
    %mul3A_5 = arith.muli %mul3A_4, %iota3A : vector<2x2x32xi32>
    %add3A = arith.addi %mul3A_5, %iota3A_2 : vector<2x2x32xi32>
    %add3A_6 = arith.constant 0 : i32
    %add3A_7 = vector.broadcast %add3A_6 : i32 to vector<2x2x32xi32>
    %add3A_8 = arith.addi %add3A_7, %add3A : vector<2x2x32xi32>
    %eq3A = arith.cmpi eq, %iota3A_3, %add3A_8 : vector<2x2x32xi32>
    %broadcast_in_dim3A = vector.shape_cast %get3A_1 : vector<2x2xf32> to vector<2x2x1xf32>
    %jit3A = arith.constant 0.000000e+00 : f32
    %broadcast_in_dim3A_9 = vector.shape_cast %broadcast_in_dim3A : vector<2x2x1xf32> to vector<2x2x1xf32>
    %broadcast_in_dim3A_10 = vector.broadcast %broadcast_in_dim3A_9 : vector<2x2x1xf32> to vector<2x2x32xf32>
    %broadcast_in_dim3A_11 = vector.broadcast %jit3A : f32 to vector<2x2x32xf32>
    %select_n3A = arith.select %eq3A, %broadcast_in_dim3A_10, %broadcast_in_dim3A_11 : vector<2x2x32xi1>, vector<2x2x32xf32>
    %reduce_sum3A = arith.constant dense<0.000000e+00> : vector<32xf32>
    %reduce_sum3A_12 = vector.multi_reduction <add>, %select_n3A, %reduce_sum3A [0, 1] : vector<2x2x32xf32> to vector<32xf32>
    %get3A_13 = arith.constant 0 : index
    %get3A_14 = arith.constant 0 : index
    %get3A_15 = vector.load %arg1[%get3A_13, %get3A_14] : memref<2x4xf32, #tpu.memory_space<vmem>>, vector<2x4xf32>
    %iota3A_16 = tpu.iota {dimensions = array<i32: 0>} : vector<2x4x32xi32>
    %iota3A_17 = tpu.iota {dimensions = array<i32: 1>} : vector<2x4x32xi32>
    %iota3A_18 = tpu.iota {dimensions = array<i32: 2>} : vector<2x4x32xi32>
    %mul3A_19 = arith.constant 2 : i32
    %mul3A_20 = vector.broadcast %mul3A_19 : i32 to vector<2x4x32xi32>
    %mul3A_21 = arith.muli %mul3A_20, %iota3A_17 : vector<2x4x32xi32>
    %add3A_22 = arith.addi %mul3A_21, %iota3A_16 : vector<2x4x32xi32>
    %add3A_23 = arith.constant 4 : i32
    %add3A_24 = vector.broadcast %add3A_23 : i32 to vector<2x4x32xi32>
    %add3A_25 = arith.addi %add3A_24, %add3A_22 : vector<2x4x32xi32>
    %eq3A_26 = arith.cmpi eq, %iota3A_18, %add3A_25 : vector<2x4x32xi32>
    %broadcast_in_dim3A_27 = vector.shape_cast %get3A_15 : vector<2x4xf32> to vector<2x4x1xf32>
    %jit3A_28 = arith.constant 0.000000e+00 : f32
    %broadcast_in_dim3A_29 = vector.shape_cast %broadcast_in_dim3A_27 : vector<2x4x1xf32> to vector<2x4x1xf32>
    %broadcast_in_dim3A_30 = vector.broadcast %broadcast_in_dim3A_29 : vector<2x4x1xf32> to vector<2x4x32xf32>
    %broadcast_in_dim3A_31 = vector.broadcast %jit3A_28 : f32 to vector<2x4x32xf32>
    %select_n3A_32 = arith.select %eq3A_26, %broadcast_in_dim3A_30, %broadcast_in_dim3A_31 : vector<2x4x32xi1>, vector<2x4x32xf32>
    %reduce_sum3A_33 = arith.constant dense<0.000000e+00> : vector<32xf32>
    %reduce_sum3A_34 = vector.multi_reduction <add>, %select_n3A_32, %reduce_sum3A_33 [0, 1] : vector<2x4x32xf32> to vector<32xf32>
    %add3A_35 = arith.addf %reduce_sum3A_12, %reduce_sum3A_34 : vector<32xf32>
    %get3A_36 = arith.constant 0 : index
    %get3A_37 = arith.constant 0 : index
    %get3A_38 = vector.load %arg2[%get3A_36, %get3A_37] : memref<2x8xf32, #tpu.memory_space<vmem>>, vector<2x8xf32>
    %iota3A_39 = tpu.iota {dimensions = array<i32: 0>} : vector<2x8x32xi32>
    %iota3A_40 = tpu.iota {dimensions = array<i32: 1>} : vector<2x8x32xi32>
    %iota3A_41 = tpu.iota {dimensions = array<i32: 2>} : vector<2x8x32xi32>
    %mul3A_42 = arith.constant 2 : i32
    %mul3A_43 = vector.broadcast %mul3A_42 : i32 to vector<2x8x32xi32>
    %mul3A_44 = arith.muli %mul3A_43, %iota3A_40 : vector<2x8x32xi32>
    %add3A_45 = arith.addi %mul3A_44, %iota3A_39 : vector<2x8x32xi32>
    %add3A_46 = arith.constant 12 : i32
    %add3A_47 = vector.broadcast %add3A_46 : i32 to vector<2x8x32xi32>
    %add3A_48 = arith.addi %add3A_47, %add3A_45 : vector<2x8x32xi32>
    %eq3A_49 = arith.cmpi eq, %iota3A_41, %add3A_48 : vector<2x8x32xi32>
    %broadcast_in_dim3A_50 = vector.shape_cast %get3A_38 : vector<2x8xf32> to vector<2x8x1xf32>
    %jit3A_51 = arith.constant 0.000000e+00 : f32
    %broadcast_in_dim3A_52 = vector.shape_cast %broadcast_in_dim3A_50 : vector<2x8x1xf32> to vector<2x8x1xf32>
    %broadcast_in_dim3A_53 = vector.broadcast %broadcast_in_dim3A_52 : vector<2x8x1xf32> to vector<2x8x32xf32>
    %broadcast_in_dim3A_54 = vector.broadcast %jit3A_51 : f32 to vector<2x8x32xf32>
    %select_n3A_55 = arith.select %eq3A_49, %broadcast_in_dim3A_53, %broadcast_in_dim3A_54 : vector<2x8x32xi1>, vector<2x8x32xf32>
    %reduce_sum3A_56 = arith.constant dense<0.000000e+00> : vector<32xf32>
    %reduce_sum3A_57 = vector.multi_reduction <add>, %select_n3A_55, %reduce_sum3A_56 [0, 1] : vector<2x8x32xf32> to vector<32xf32>
    %add3A_58 = arith.addf %add3A_35, %reduce_sum3A_57 : vector<32xf32>
    %get3A_59 = arith.constant 0 : index
    %get3A_60 = arith.constant 0 : index
    %get3A_61 = vector.load %arg3[%get3A_59, %get3A_60] : memref<2x2xf32, #tpu.memory_space<vmem>>, vector<2x2xf32>
    %iota3A_62 = tpu.iota {dimensions = array<i32: 0>} : vector<2x2x32xi32>
    %iota3A_63 = tpu.iota {dimensions = array<i32: 1>} : vector<2x2x32xi32>
    %iota3A_64 = tpu.iota {dimensions = array<i32: 2>} : vector<2x2x32xi32>
    %mul3A_65 = arith.constant 2 : i32
    %mul3A_66 = vector.broadcast %mul3A_65 : i32 to vector<2x2x32xi32>
    %mul3A_67 = arith.muli %mul3A_66, %iota3A_62 : vector<2x2x32xi32>
    %add3A_68 = arith.addi %mul3A_67, %iota3A_63 : vector<2x2x32xi32>
    %add3A_69 = arith.constant 28 : i32
    %add3A_70 = vector.broadcast %add3A_69 : i32 to vector<2x2x32xi32>
    %add3A_71 = arith.addi %add3A_70, %add3A_68 : vector<2x2x32xi32>
    %eq3A_72 = arith.cmpi eq, %iota3A_64, %add3A_71 : vector<2x2x32xi32>
    %broadcast_in_dim3A_73 = vector.shape_cast %get3A_61 : vector<2x2xf32> to vector<2x2x1xf32>
    %jit3A_74 = arith.constant 0.000000e+00 : f32
    %broadcast_in_dim3A_75 = vector.shape_cast %broadcast_in_dim3A_73 : vector<2x2x1xf32> to vector<2x2x1xf32>
    %broadcast_in_dim3A_76 = vector.broadcast %broadcast_in_dim3A_75 : vector<2x2x1xf32> to vector<2x2x32xf32>
    %broadcast_in_dim3A_77 = vector.broadcast %jit3A_74 : f32 to vector<2x2x32xf32>
    %select_n3A_78 = arith.select %eq3A_72, %broadcast_in_dim3A_76, %broadcast_in_dim3A_77 : vector<2x2x32xi1>, vector<2x2x32xf32>
    %reduce_sum3A_79 = arith.constant dense<0.000000e+00> : vector<32xf32>
    %reduce_sum3A_80 = vector.multi_reduction <add>, %select_n3A_78, %reduce_sum3A_79 [0, 1] : vector<2x2x32xf32> to vector<32xf32>
    %add3A_81 = arith.addf %add3A_58, %reduce_sum3A_80 : vector<32xf32>
    %swap3A = arith.constant 0 : index
    %swap3A_82 = vector.load %arg4[%swap3A] : memref<32xf32, #tpu.memory_space<vmem>>, vector<32xf32>
    tpu.vector_store %arg4[%swap3A], %add3A_81 {strides = array<i32>} : memref<32xf32, #tpu.memory_space<vmem>>, vector<32xf32>,
    return
  }
}

</mosaic_0001>

<sc_bundles>
// kernel: kernel.4.cloned.1.call-start
scs
__scs_entry_jumppad:
0x0: {  	(pc) =	sbr.rel $0x88, $3  }
0x1: {  	(tag) =	ssettag $0x0;
	lr =	simm.s32 $0x1  }
0x2: {  	[smem:$0x3F9C] =	sst lr;
	_ =	strace $0xD0000000  }
0x3: {  	_ = 	snop  }
0x4: {  	_ = 	snop  }
0x5: {  	_ = 	snop  }
0x6: {  	_ = 	snop  }
0x7: {  	_ = 	snop  }
__scs_overlays_trampoline_lowered:
0x8: {  	[smem:$0x3FAB] =	sst s0  }
0x9: {  	[smem:$0x3FAC] =	sst s1  }
0xa: {  	[smem:$0x3FAD] =	sst s2  }
0xb: {  	[smem:$0x3FAE] =	sst s3  }
0xc: {  	[smem:$0x3FAF] =	sst s4  }
0xd: {  	[smem:$0x3FB0] =	sst s5  }
0xe: {  	[smem:$0x3FB1] =	sst s6  }
0xf: {  	[smem:$0x3FB2] =	sst s7  }
0x10: {  	[smem:$0x3FB3] =	sst s8  }
0x11: {  	[smem:$0x3FB4] =	sst s9;
	s0 =	simm.s32 @!p0 $0x0  }
0x12: {  	s1 =	sld [smem:$0x3F9A];
	s0 =	simm.s32 @p0 $0x1  }
0x13: {  	[smem:$0x3FB5] =	sst s0;
	s0 =	simm.s32 @!p1 $0x0  }
0x14: {  	s2 =	sld [smem:$0x3F99];
	s0 =	simm.s32 @p1 $0x1  }
0x15: {  	[smem:$0x3FB6] =	sst s0;
	s0 =	simm.s32 @!p2 $0x0  }
0x16: {  	s3 =	sld [smem:$0x3FDB];
	s0 =	simm.s32 @p2 $0x1  }
0x17: {  	s4 =	simm.s32 $0x1BF5;
	[smem:$0x3FB8] =	sst s0  }
0x18: {  	s0 =	sld [smem:$0x3F9B];
	_ =	swait.ge [sflag:s4], $0x0  }
0x19: {  	s7 =	sld [smem:$0x3F9C]  }
0x1a: {  	s8 =	sadd.s32 $0xFFFFE003, lr  }
0x1b: {  	s9 =	sadd.s32 $0xFFFFFEF7, lr;
	s5 =	simm.s32 $0xFFFFFFFF;
	p2 =	slt.u32 s8, $0xFFFFF086  }
0x1c: {  	p1 =	slt.u32 s9, $0xF7A;
	s5 =	simm.s32 @!p2 $0x0  }
0x1d: {  	s5 =	simm.s32 @p1 $0x1;
	p0 =	seq.s32 s7, s2  }
0x1e: {  	s7 =	smul.u32 @!p0 $0xF7A, s2;
	p2 =	seq.s32 @!p0 s5, $0x0  }
0x1f: {  	s9 =	smul.u32 $0xF7A, s1;
	s8 =	simm.s32 @!p0 $0x1BF5;
	p2 =	por !p2, p0  }
0x20: {  	[sflag:s8] =	ssyncset.s32 @!p0 $0xFFFFF086;
	s6 =	sadd.s32 @!p0 s3, s7;
	s7 =	simm.s32 @!p0 $0x108  }
0x21: {  	s3 =	sadd.s32 s3, s9;
	s6 =	sadd.s32 @!p0 $0x88, s6;
	s7 =	simm.s32 @p2 $0x1082  }
0x22: {  	[simem:s7], [sflag:s8] =	dma.local @!p0 [hbm:s6], $0xF7A  }
0x23: {  	s9 =	sor.u32 $0xD0000000, s2;
	s6 =	simm.s32 $0x108;
	_ =	swait.ge @!p0 [sflag:s8], $0x0  }
0x24: {  	s3 =	sadd.s32 $0x88, s3;
	s6 =	simm.s32 @!p1 $0x1082;
	[sflag:s4] =	ssyncset.s32 $0xFFFFF086  }
0x25: {  	[simem:s6], [sflag:s4] =	dma.local [hbm:s3], $0xF7A  }
0x26: {  	[smem:$0x3F9C] =	sst s1;
	(tag) =	ssettag s2;
	_ =	strace s9  }
0x27: {  	s1 =	sld [smem:$0x3FAC]  }
0x28: {  	s2 =	sld [smem:$0x3FAD]  }
0x29: {  	s4 =	sld [smem:$0x3FAF]  }
0x2a: {  	p0 =	seq.s32 s5, $0x0;
	s5 =	sld [smem:$0x3FB0]  }
0x2b: {  	s6 =	sld [smem:$0x3FB1]  }
0x2c: {  	s7 =	sld [smem:$0x3FB2]  }
0x2d: {  	s3 =	simm.s32 $0x108;
	s8 =	sld [smem:$0x3FB3]  }
0x2e: {  	s3 =	simm.s32 @!p0 $0x1082;
	s9 =	sld [smem:$0x3FB4]  }
0x2f: {  	lr =	sadd.s32 s0, s3;
	s0 =	sld [smem:$0x3FAB]  }
0x30: {  	s3 =	sld [smem:$0x3FAE]  }
0x31: {  	[smem:$0x3FB7] =	sst s10  }
0x32: {  	s10 =	sld [smem:$0x3FB5];
	_ =	sdelay $0x3  }
0x33: {  	p0 =	seq.s32 s10, $0x1;
	s10 =	sld [smem:$0x3FB7];
	_ =	sdelay $0x3  }
0x34: {  	[smem:$0x3FB7] =	sst s10  }
0x35: {  	s10 =	sld [smem:$0x3FB6];
	_ =	sdelay $0x3  }
0x36: {  	p1 =	seq.s32 s10, $0x1;
	s10 =	sld [smem:$0x3FB7];
	_ =	sdelay $0x3  }
0x37: {  	[smem:$0x3FB7] =	sst s10  }
0x38: {  	s10 =	sld [smem:$0x3FB8]  }
0x39: {  	_ = 	snop;
	(pc) =	sbr.ind lr, $3  }
0x3a: {  	_ = 	snop  }
0x3b: {  	_ = 	snop  }
0x3c: {  	p2 =	seq.s32 s10, $0x1;
	s10 =	sld [smem:$0x3FB7]  }
0x3d: {  	_ =	shalt  }
0x3e: {  	_ =	shalt  }
0x3f: {  	_ =	shalt  }
0x40: {  	_ =	shalt  }
0x41: {  	_ =	shalt  }
0x42: {  	_ =	shalt  }
0x43: {  	_ =	shalt  }
0x44: {  	_ =	shalt  }
0x45: {  	_ =	shalt  }
0x46: {  	_ =	shalt  }
0x47: {  	_ =	shalt  }
0x48: {  	_ =	shalt  }
0x49: {  	_ =	shalt  }
0x4a: {  	_ =	shalt  }
0x4b: {  	_ =	shalt  }
0x4c: {  	_ =	shalt  }
0x4d: {  	_ =	shalt  }
0x4e: {  	_ =	shalt  }
0x4f: {  	_ =	shalt  }
0x50: {  	_ =	shalt  }
0x51: {  	_ =	shalt  }
0x52: {  	_ =	shalt  }
0x53: {  	_ =	shalt  }
0x54: {  	_ =	shalt  }
0x55: {  	_ =	shalt  }
0x56: {  	_ =	shalt  }
0x57: {  	_ =	shalt  }
0x58: {  	_ =	shalt  }
0x59: {  	_ =	shalt  }
0x5a: {  	_ =	shalt  }
0x5b: {  	_ =	shalt  }
0x5c: {  	_ =	shalt  }
0x5d: {  	_ =	shalt  }
0x5e: {  	_ =	shalt  }
0x5f: {  	_ =	shalt  }
0x60: {  	_ =	shalt  }
0x61: {  	_ =	shalt  }
0x62: {  	_ =	shalt  }
0x63: {  	_ =	shalt  }
0x64: {  	_ =	shalt  }
0x65: {  	_ =	shalt  }
0x66: {  	_ =	shalt  }
0x67: {  	_ =	shalt  }
0x68: {  	_ =	shalt  }
0x69: {  	_ =	shalt  }
0x6a: {  	_ =	shalt  }
0x6b: {  	_ =	shalt  }
0x6c: {  	_ =	shalt  }
0x6d: {  	_ =	shalt  }
0x6e: {  	_ =	shalt  }
0x6f: {  	_ =	shalt  }
0x70: {  	_ =	shalt  }
0x71: {  	_ =	shalt  }
0x72: {  	_ =	shalt  }
0x73: {  	_ =	shalt  }
0x74: {  	_ =	shalt  }
0x75: {  	_ =	shalt  }
0x76: {  	_ =	shalt  }
0x77: {  	_ =	shalt  }
0x78: {  	_ =	shalt  }
0x79: {  	_ =	shalt  }
0x7a: {  	_ =	shalt  }
0x7b: {  	_ =	shalt  }
0x7c: {  	_ =	shalt  }
0x7d: {  	_ =	shalt  }
0x7e: {  	_ =	shalt  }
0x7f: {  	_ =	shalt  }
0x80: {  	_ =	shalt  }
0x81: {  	_ =	shalt  }
0x82: {  	_ =	shalt  }
0x83: {  	_ =	shalt  }
0x84: {  	_ =	shalt  }
0x85: {  	_ =	shalt  }
0x86: {  	_ =	shalt  }
0x87: {  	_ =	shalt  }
.Lfunc_end0:
.L_simem_size_0:
called_computation_lowered:
.L_overlay_start_0:
0x88: {  	s2 =	sld [smem:$0x3FD9]  }
0x89: {  	s3 =	sld [smem:$0x3FFE];
	_ =	sdelay $0x1  }
0x8a: {  	s1 =	srdreg.scid  }
0x8b: {  	s0 =	sand.u32 $0x1, s1  }
0x8c: {  	s17 =	sshll.u32 s0, $0xA;
	s2 =	sadd.s32 s3, s2  }
0x8d: {  	s2 =	sadd.s32 s2, s17  }
0x8e: {  	[smem:$0x3FC3] =	sst s2  }
0x8f: {  	_ = 	snop  }
0x90: {  	s2 =	sld [smem:$0x3FC9]  }
0x91: {  	s18 =	sld [smem:$0x3FD0];
	(tm) =	ssettm $0x1  }
0x92: {  	s4 =	sld [smem:$0x3FFB];
	_ =	sdelay $0x3  }
0x93: {  	_ =	strace s4  }
0x94: {  	s4 =	sld [smem:$0x3FFC];
	_ =	sdelay $0x3  }
0x95: {  	_ =	strace s4  }
0x96: {  	s4 =	sld [smem:$0x3FFD];
	_ =	sdelay $0x3  }
0x97: {  	_ =	strace s4  }
0x98: {  	_ =	strace $0x8FFFFFFF  }
0x99: {  	s19 =	sld [smem:$0x3FDB];
	_ =	sdelay $0x1  }
0x9a: {  	s5 =	simm.s32 $_scs_section_size  }
0x9b: {  	s6 =	simm.s32 $_size__tile_overlayer_lowered;
	s7 =	simm.s32 $_tile_overlayer_lowered  }
0x9c: {  	s22 =	simm.s32 $0x1BFF;
	s21 =	sshll.u32 s7, $0x1;
	s4 =	sadd.s32 s5, s19  }
0x9d: {  	s8 =	simm.s32 $0x0;
	s20 =	sshll.u32 s6, $0x1;
	s6 =	sadd.s32 s21, s4  }
0x9e: {  	[timem:s8], [sflag:s22] =	dma.local [hbm:s6], s20  }
0x9f: {  	_ =	swait.ge [sflag:s22], s20  }
0xa0: {  	s5 =	ssub.s32 $0x0, s20;
	[sflag:s22] =	ssyncset.done $0x0  }
0xa1: {  	[sflag:s22] =	ssyncadd.s32 s5;
	_ =	sdelay $0x1  }
0xa2: {  	s23 =	simm.s32 $0x1B8B  }
0xa3: {  	_ =	swait.ge [sflag:s23], $0x1  }
0xa4: {  	[sflag:s23] =	ssyncset.done $0x0  }
0xa5: {  	s25 =	simm.s32 $0x1B8E;
	s24 =	sld [smem:$0x3FFE];
	[sflag:s23] =	ssyncadd.s32 $0xFFFFFFFF  }
0xa6: {  	s26 =	simm.s32 $execute0_lowered;
	[smem:$0x3FD2] =	sst s25  }
0xa7: {  	s6 =	sshll.u32 s26, $0x1;
	_ =	strace $0x80000046;
	[dreg:$0x1] =	wrdreg $0xFFFFFFFF  }
0xa8: {  	s28 =	simm.s32 $_size_execute0_lowered;
	s4 =	sadd.s32 s4, s6;
	[dreg:$0x0] =	wrdreg $0x0  }
0xa9: {  	s6 =	sshll.u32 s28, $0x1;
	[dreg:$0x2] =	wrdreg s4  }
0xaa: {  	[dreg:$0x3] =	wrdreg s6  }
0xab: {  	[dreg:$0x4] =	wrdreg $0xC0  }
0xac: {  	_ =	task [dreg:s8], $0x5FFFF  }
0xad: {  	[dreg:$0x1] =	wrdreg $0xFFFFFFFF  }
0xae: {  	[dreg:$0x0] =	wrdreg $0x60  }
0xaf: {  	[dreg:$0x2] =	wrdreg s2  }
0xb0: {  	[dreg:$0x3] =	wrdreg s24  }
0xb1: {  	[dreg:$0x4] =	wrdreg s18  }
0xb2: {  	[dreg:$0x5] =	wrdreg $0x9  }
0xb3: {  	_ =	task.clear_ibuf [dreg:s8], $0x6FFFF;
	_ =	strace $0x90000046  }
0xb4: {  	s29 =	simm.s32 $0x9;
	_ =	strace $0x80000048  }
0xb5: {  	_ =	swait.ge [sflag:s29], $0x1  }
0xb6: {  	[sflag:s29] =	ssyncadd.s32 $0xFFFFFFFF  }
0xb7: {  	_ =	strace $0x90000048  }
0xb8: {  	_ =	sfence  }
0xb9: {  	s30 =	sld [smem:$0x0];
	_ =	sdelay $0x2  }
0xba: {  	s31 =	sshll.u32 s1, $0xD;
	s1 =	sshrl.u32 s1, $0x2  }
0xbb: {  	s3 =	sand.u32 $0x4000, s31;
	s1 =	sadd.s32 s1, s30  }
0xbc: {  	s0 =	sor.u32 s3, s0;
	s1 =	sshll.u32 s1, $0x11  }
0xbd: {  	s0 =	sor.u32 s1, s0  }
0xbe: {  	s0 =	sadd.s32 $0x8F2B, s0  }
0xbf: {  	[sflag:s0] =	ssyncadd.remote.s32 $0x1  }
0xc0: {  	_ =	sfence.sel $0xFFFF  }
0xc1: {  	[dreg:$0x0] =	wrdreg $0xFFFFFFFF;
	(pc) =	sbr.abs _section_cstart, $3  }
0xc2: {  	[dreg:$0x1] =	wrdreg $0xFFFFFFFF  }
0xc3: {  	_ =	task.clear_ibuf [dreg:s8], $0x2FFFF;
	_ =	strace $0x9FFFFFFF  }
0xc4: {  	(tm) =	ssettm $0x7FFFFFFF  }
0xc5: {  	_ =	shalt  }
tec
execute0_lowered:
.L_overlay_start_1:
0x0: {  	(tag) =	ssettag $0x1  }
0x1: {  	s4 =	rddreg [dreg:$0x0]  }
0x2: {  	s3 =	rddreg [dreg:$0x1]  }
0x3: {  	s5 =	rddreg [dreg:$0x2]  }
0x4: {  	s0 =	rddreg [dreg:$0x3];
	s2 =	simm.s32 $0x0;
	s6 =	srdreg.scid  }
0x5: {  	s1 =	stileid.u32;
	s10 =	simm.s32 $0x2;
	s11 =	simm.s32 $0x0  }
0x6: {  	[smem:$0x7FF] =	sst s2;
	s6 =	sand.u32 $0x1, s6;
	s7 =	sshll.u32 s1, $0x3  }
0x7: {  	s3 =	sadd.s32 $0xE00, s3;
	s8 =	sshll.u32 s6, $0x2;
	s6 =	ssub.s32 $0x2, s6  }
0x8: {  	_ =	strace $0x80000047;
	s7 =	sor.u32 s8, s7;
	s31 =	sshrl.u32 s6, $0x1  }
0x9: {  	s8 =	simm.s32 $0x1;
	s9 =	sshll.u32 s7, $0x6;
	s7 =	sshll.u32 s7, $0x7  }
0xa: {  	s6 =	ssub.s32 s6, s31;
	s4 =	sadd.s32 s4, s9;
	s5 =	sadd.s32 s5, s7  }
0xb: {  	s6 =	smax.u32 s6, $0x1;
	s7 =	simm.s32 $0x800;
	s9 =	simm.s32 $0x820  }
.LBB2_1:
0xc: {  	[tilespmem:s2], [sflag:$0x1] =	stream.linear.gather [hbm4b:s4+s2], $0x800, $0x38;
	[tilespmem:$0x1820] =	vst v63  }
0xd: {  	_ = 	snop  }
0xe: {  	[tilespmem:s7], [sflag:$0x1] =	stream.linear.gather [hbm4b:s3+s2], $0x20, $0x38;
	[tilespmem:$0x1820] =	vst v63  }
0xf: {  	_ =	swait.ge [sflag:s8], $0x800  }
0x10: {  	[sflag:s8] =	ssyncset.done $0x0  }
0x11: {  	[sflag:s8] =	ssyncadd.s32 $0xFFFFF800  }
0x12: {  	_ =	swait.ge [sflag:s8], $0x20  }
0x13: {  	[sflag:s8] =	ssyncset.done $0x0  }
0x14: {  	s12 =	simm.s32 $0xFFFFFF80;
	[sflag:s8] =	ssyncadd.s32 $0xFFFFFFE0  }
0x15: {  	v0 =	vld [tilespmem:s12+$0x80];
	_ =	sdelay $0x4  }
0x16: {  	v0 =	vshll.u32 v0, $0x1;
	_ =	sdelay $0x4  }
0x17: {  	v1 =	vld.idx.msk [tilespmem:v0+s7+$0x0], $0xffff  }
0x18: {  	v2 =	vld [tilespmem:s12+$0x100];
	v0 =	vor.u32 $0x1, v0;
	_ =	sdelay $0x3  }
0x19: {  	[tilespmem:s12+$0x8A0] =	vst v1  }
0x1a: {  	v1 =	vshll.u32 v2, $0x1;
	v0 =	vld.idx.msk [tilespmem:v0+s7+$0x0], $0xffff  }
0x1b: {  	v2 =	vadd.s32 $0x4, v1;
	_ =	sdelay $0x3  }
0x1c: {  	[tilespmem:s12+$0x920] =	vst v0  }
0x1d: {  	v0 =	vld.idx.msk [tilespmem:v2+s7+$0x0], $0xffff  }
0x1e: {  	v1 =	vadd.s32 $0x5, v1;
	v2 =	vld [tilespmem:s12+$0x180];
	_ =	sdelay $0x3  }
0x1f: {  	[tilespmem:s12+$0x9A0] =	vst v0  }
0x20: {  	v0 =	vld.idx.msk [tilespmem:v1+s7+$0x0], $0xffff;
	v1 =	vshll.u32 v2, $0x1  }
0x21: {  	v2 =	vadd.s32 $0xC, v1;
	_ =	sdelay $0x3  }
0x22: {  	[tilespmem:s12+$0xA20] =	vst v0  }
0x23: {  	v0 =	vld.idx.msk [tilespmem:v2+s7+$0x0], $0xffff  }
0x24: {  	v1 =	vadd.s32 $0xD, v1;
	v2 =	vld [tilespmem:s12+$0x200];
	_ =	sdelay $0x3  }
0x25: {  	[tilespmem:s12+$0xAA0] =	vst v0  }
0x26: {  	v0 =	vld.idx.msk [tilespmem:v1+s7+$0x0], $0xffff;
	v1 =	vshll.u32 v2, $0x1  }
0x27: {  	v2 =	vadd.s32 $0x1C, v1;
	_ =	sdelay $0x3  }
0x28: {  	[tilespmem:s12+$0xB20] =	vst v0  }
0x29: {  	v0 =	vld.idx.msk [tilespmem:v2+s7+$0x0], $0xffff  }
0x2a: {  	v1 =	vadd.s32 $0x1D, v1  }
0x2b: {  	v2 =	vld [tilespmem:s12+$0x280];
	_ =	sdelay $0x2  }
0x2c: {  	[tilespmem:s12+$0xBA0] =	vst v0  }
0x2d: {  	v0 =	vld.idx.msk [tilespmem:v1+s7+$0x0], $0xffff  }
0x2e: {  	v1 =	vshll.u32 v2, $0x1;
	_ =	sdelay $0x3  }
0x2f: {  	[tilespmem:s12+$0xC20] =	vst v0  }
0x30: {  	v0 =	vld.idx.msk [tilespmem:v1+s7+$0x0], $0xffff  }
0x31: {  	v2 =	vld [tilespmem:s12+$0x300];
	v1 =	vor.u32 $0x1, v1;
	_ =	sdelay $0x3  }
0x32: {  	[tilespmem:s12+$0xCA0] =	vst v0  }
0x33: {  	v0 =	vld.idx.msk [tilespmem:v1+s7+$0x0], $0xffff;
	v1 =	vshll.u32 v2, $0x1  }
0x34: {  	v2 =	vadd.s32 $0x4, v1;
	_ =	sdelay $0x3  }
0x35: {  	[tilespmem:s12+$0xD20] =	vst v0  }
0x36: {  	v0 =	vld.idx.msk [tilespmem:v2+s7+$0x0], $0xffff  }
0x37: {  	v1 =	vadd.s32 $0x5, v1;
	v2 =	vld [tilespmem:s12+$0x380];
	_ =	sdelay $0x3  }
0x38: {  	[tilespmem:s12+$0xDA0] =	vst v0  }
0x39: {  	v0 =	vld.idx.msk [tilespmem:v1+s7+$0x0], $0xffff;
	v1 =	vshll.u32 v2, $0x1  }
0x3a: {  	v2 =	vadd.s32 $0xC, v1;
	_ =	sdelay $0x3  }
0x3b: {  	[tilespmem:s12+$0xE20] =	vst v0  }
0x3c: {  	v0 =	vld.idx.msk [tilespmem:v2+s7+$0x0], $0xffff  }
0x3d: {  	v1 =	vadd.s32 $0xD, v1;
	v2 =	vld [tilespmem:s12+$0x400];
	_ =	sdelay $0x3  }
0x3e: {  	[tilespmem:s12+$0xEA0] =	vst v0  }
0x3f: {  	v0 =	vld.idx.msk [tilespmem:v1+s7+$0x0], $0xffff;
	v1 =	vshll.u32 v2, $0x1  }
0x40: {  	v2 =	vadd.s32 $0x1C, v1;
	_ =	sdelay $0x3  }
0x41: {  	[tilespmem:s12+$0xF20] =	vst v0  }
0x42: {  	v0 =	vld.idx.msk [tilespmem:v2+s7+$0x0], $0xffff  }
0x43: {  	v1 =	vadd.s32 $0x1D, v1  }
0x44: {  	v2 =	vld [tilespmem:s12+$0x480];
	_ =	sdelay $0x2  }
0x45: {  	[tilespmem:s12+$0xFA0] =	vst v0  }
0x46: {  	v0 =	vld.idx.msk [tilespmem:v1+s7+$0x0], $0xffff  }
0x47: {  	v1 =	vshll.u32 v2, $0x1;
	_ =	sdelay $0x3  }
0x48: {  	[tilespmem:s12+$0x1020] =	vst v0  }
0x49: {  	v0 =	vld.idx.msk [tilespmem:v1+s7+$0x0], $0xffff  }
0x4a: {  	v2 =	vld [tilespmem:s12+$0x500];
	v1 =	vor.u32 $0x1, v1;
	_ =	sdelay $0x3  }
0x4b: {  	[tilespmem:s12+$0x10A0] =	vst v0  }
0x4c: {  	v0 =	vld.idx.msk [tilespmem:v1+s7+$0x0], $0xffff;
	v1 =	vshll.u32 v2, $0x1  }
0x4d: {  	v2 =	vadd.s32 $0x4, v1;
	_ =	sdelay $0x3  }
0x4e: {  	[tilespmem:s12+$0x1120] =	vst v0  }
0x4f: {  	v0 =	vld.idx.msk [tilespmem:v2+s7+$0x0], $0xffff  }
0x50: {  	v1 =	vadd.s32 $0x5, v1;
	v2 =	vld [tilespmem:s12+$0x580];
	_ =	sdelay $0x3  }
0x51: {  	[tilespmem:s12+$0x11A0] =	vst v0  }
0x52: {  	v0 =	vld.idx.msk [tilespmem:v1+s7+$0x0], $0xffff;
	v1 =	vshll.u32 v2, $0x1  }
0x53: {  	v2 =	vadd.s32 $0xC, v1;
	_ =	sdelay $0x3  }
0x54: {  	[tilespmem:s12+$0x1220] =	vst v0  }
0x55: {  	v0 =	vld.idx.msk [tilespmem:v2+s7+$0x0], $0xffff  }
0x56: {  	v1 =	vadd.s32 $0xD, v1;
	v2 =	vld [tilespmem:s12+$0x600];
	_ =	sdelay $0x3  }
0x57: {  	[tilespmem:s12+$0x12A0] =	vst v0  }
0x58: {  	v0 =	vld.idx.msk [tilespmem:v1+s7+$0x0], $0xffff;
	v1 =	vshll.u32 v2, $0x1  }
0x59: {  	v2 =	vadd.s32 $0x1C, v1;
	_ =	sdelay $0x3  }
0x5a: {  	[tilespmem:s12+$0x1320] =	vst v0  }
0x5b: {  	v0 =	vld.idx.msk [tilespmem:v2+s7+$0x0], $0xffff  }
0x5c: {  	v1 =	vadd.s32 $0x1D, v1  }
0x5d: {  	v2 =	vld [tilespmem:s12+$0x680];
	_ =	sdelay $0x2  }
0x5e: {  	[tilespmem:s12+$0x13A0] =	vst v0  }
0x5f: {  	v0 =	vld.idx.msk [tilespmem:v1+s7+$0x0], $0xffff  }
0x60: {  	v1 =	vshll.u32 v2, $0x1;
	_ =	sdelay $0x3  }
0x61: {  	[tilespmem:s12+$0x1420] =	vst v0  }
0x62: {  	v0 =	vld.idx.msk [tilespmem:v1+s7+$0x0], $0xffff  }
0x63: {  	v2 =	vld [tilespmem:s12+$0x700];
	v1 =	vor.u32 $0x1, v1;
	_ =	sdelay $0x3  }
0x64: {  	[tilespmem:s12+$0x14A0] =	vst v0  }
0x65: {  	v0 =	vld.idx.msk [tilespmem:v1+s7+$0x0], $0xffff;
	v1 =	vshll.u32 v2, $0x1  }
0x66: {  	v2 =	vadd.s32 $0x4, v1;
	_ =	sdelay $0x3  }
0x67: {  	[tilespmem:s12+$0x1520] =	vst v0  }
0x68: {  	v0 =	vld.idx.msk [tilespmem:v2+s7+$0x0], $0xffff  }
0x69: {  	v1 =	vadd.s32 $0x5, v1;
	v2 =	vld [tilespmem:s12+$0x780];
	_ =	sdelay $0x3  }
0x6a: {  	[tilespmem:s12+$0x15A0] =	vst v0  }
0x6b: {  	v0 =	vld.idx.msk [tilespmem:v1+s7+$0x0], $0xffff;
	v1 =	vshll.u32 v2, $0x1  }
0x6c: {  	v2 =	vadd.s32 $0xC, v1;
	_ =	sdelay $0x3  }
0x6d: {  	[tilespmem:s12+$0x1620] =	vst v0  }
0x6e: {  	v0 =	vld.idx.msk [tilespmem:v2+s7+$0x0], $0xffff  }
0x6f: {  	v1 =	vadd.s32 $0xD, v1;
	v2 =	vld [tilespmem:s12+$0x800];
	_ =	sdelay $0x3  }
0x70: {  	[tilespmem:s12+$0x16A0] =	vst v0  }
0x71: {  	v0 =	vld.idx.msk [tilespmem:v1+s7+$0x0], $0xffff;
	v1 =	vshll.u32 v2, $0x1  }
0x72: {  	v2 =	vadd.s32 $0x1C, v1;
	_ =	sdelay $0x3  }
0x73: {  	[tilespmem:s12+$0x1720] =	vst v0  }
0x74: {  	v0 =	vld.idx.msk [tilespmem:v2+s7+$0x0], $0xffff  }
0x75: {  	v1 =	vadd.s32 $0x1D, v1  }
0x76: {  	s14 =	simm.s32 $0xFFFFFF90;
	s13 =	simm.s32 $0xFFFFFE80  }
.LBB2_2:
0x77: {  	p0 =	sne.s32 s13, $0xFFFFFFC0;
	v2 =	vld [tilespmem:s14+$0x80];
	_ =	sdelay $0x1  }
0x78: {  	[tilespmem:s12+$0x17A0] =	vst v0  }
0x79: {  	v0 =	vld.idx.msk [tilespmem:v1+s7+$0x0], $0xffff;
	_ =	sdelay $0x1  }
0x7a: {  	v1 =	vshll.u32 v2, $0x1;
	_ =	sdelay $0x3  }
0x7b: {  	[tilespmem:s12+$0x1820] =	vst v0;
	s12 =	smov.u32 s14  }
0x7c: {  	v0 =	vld.idx.msk [tilespmem:v1+s7+$0x0], $0xffff;
	_ =	sdelay $0x1  }
0x7d: {  	v1 =	vor.u32 $0x1, v1  }
0x7e: {  	v2 =	vld [tilespmem:s12+$0x100];
	_ =	sdelay $0x2  }
0x7f: {  	[tilespmem:s12+$0x8A0] =	vst v0  }
0x80: {  	v0 =	vld.idx.msk [tilespmem:v1+s7+$0x0], $0xffff  }
0x81: {  	v1 =	vshll.u32 v2, $0x1  }
0x82: {  	v2 =	vadd.s32 $0x4, v1;
	_ =	sdelay $0x3  }
0x83: {  	[tilespmem:s12+$0x920] =	vst v0  }
0x84: {  	v0 =	vld.idx.msk [tilespmem:v2+s7+$0x0], $0xffff;
	_ =	sdelay $0x1  }
0x85: {  	v1 =	vadd.s32 $0x5, v1  }
0x86: {  	v2 =	vld [tilespmem:s12+$0x180];
	_ =	sdelay $0x2  }
0x87: {  	[tilespmem:s12+$0x9A0] =	vst v0  }
0x88: {  	v0 =	vld.idx.msk [tilespmem:v1+s7+$0x0], $0xffff  }
0x89: {  	v1 =	vshll.u32 v2, $0x1  }
0x8a: {  	v2 =	vadd.s32 $0xC, v1;
	_ =	sdelay $0x3  }
0x8b: {  	[tilespmem:s12+$0xA20] =	vst v0  }
0x8c: {  	v0 =	vld.idx.msk [tilespmem:v2+s7+$0x0], $0xffff;
	_ =	sdelay $0x1  }
0x8d: {  	v1 =	vadd.s32 $0xD, v1  }
0x8e: {  	v2 =	vld [tilespmem:s12+$0x200];
	_ =	sdelay $0x2  }
0x8f: {  	[tilespmem:s12+$0xAA0] =	vst v0  }
0x90: {  	v0 =	vld.idx.msk [tilespmem:v1+s7+$0x0], $0xffff  }
0x91: {  	v1 =	vshll.u32 v2, $0x1  }
0x92: {  	v2 =	vadd.s32 $0x1C, v1;
	_ =	sdelay $0x3  }
0x93: {  	[tilespmem:s12+$0xB20] =	vst v0  }
0x94: {  	v0 =	vld.idx.msk [tilespmem:v2+s7+$0x0], $0xffff;
	_ =	sdelay $0x1  }
0x95: {  	v1 =	vadd.s32 $0x1D, v1;
	_ =	sdelay $0x1  }
0x96: {  	v2 =	vld [tilespmem:s12+$0x280];
	_ =	sdelay $0x1  }
0x97: {  	[tilespmem:s12+$0xBA0] =	vst v0  }
0x98: {  	v0 =	vld.idx.msk [tilespmem:v1+s7+$0x0], $0xffff;
	_ =	sdelay $0x1  }
0x99: {  	v1 =	vshll.u32 v2, $0x1;
	_ =	sdelay $0x3  }
0x9a: {  	[tilespmem:s12+$0xC20] =	vst v0  }
0x9b: {  	v0 =	vld.idx.msk [tilespmem:v1+s7+$0x0], $0xffff;
	_ =	sdelay $0x1  }
0x9c: {  	v1 =	vor.u32 $0x1, v1  }
0x9d: {  	v2 =	vld [tilespmem:s12+$0x300];
	_ =	sdelay $0x2  }
0x9e: {  	[tilespmem:s12+$0xCA0] =	vst v0  }
0x9f: {  	v0 =	vld.idx.msk [tilespmem:v1+s7+$0x0], $0xffff  }
0xa0: {  	v1 =	vshll.u32 v2, $0x1  }
0xa1: {  	v2 =	vadd.s32 $0x4, v1;
	_ =	sdelay $0x3  }
0xa2: {  	[tilespmem:s12+$0xD20] =	vst v0  }
0xa3: {  	v0 =	vld.idx.msk [tilespmem:v2+s7+$0x0], $0xffff;
	_ =	sdelay $0x1  }
0xa4: {  	v1 =	vadd.s32 $0x5, v1  }
0xa5: {  	v2 =	vld [tilespmem:s12+$0x380];
	_ =	sdelay $0x2  }
0xa6: {  	[tilespmem:s12+$0xDA0] =	vst v0  }
0xa7: {  	v0 =	vld.idx.msk [tilespmem:v1+s7+$0x0], $0xffff  }
0xa8: {  	v1 =	vshll.u32 v2, $0x1  }
0xa9: {  	v2 =	vadd.s32 $0xC, v1;
	_ =	sdelay $0x3  }
0xaa: {  	[tilespmem:s12+$0xE20] =	vst v0  }
0xab: {  	v0 =	vld.idx.msk [tilespmem:v2+s7+$0x0], $0xffff;
	_ =	sdelay $0x1  }
0xac: {  	v1 =	vadd.s32 $0xD, v1  }
0xad: {  	v2 =	vld [tilespmem:s12+$0x400];
	_ =	sdelay $0x2  }
0xae: {  	[tilespmem:s12+$0xEA0] =	vst v0  }
0xaf: {  	v0 =	vld.idx.msk [tilespmem:v1+s7+$0x0], $0xffff  }
0xb0: {  	v1 =	vshll.u32 v2, $0x1  }
0xb1: {  	v2 =	vadd.s32 $0x1C, v1;
	_ =	sdelay $0x3  }
0xb2: {  	[tilespmem:s12+$0xF20] =	vst v0  }
0xb3: {  	v0 =	vld.idx.msk [tilespmem:v2+s7+$0x0], $0xffff;
	_ =	sdelay $0x1  }
0xb4: {  	v1 =	vadd.s32 $0x1D, v1;
	_ =	sdelay $0x1  }
0xb5: {  	v2 =	vld [tilespmem:s12+$0x480];
	_ =	sdelay $0x1  }
0xb6: {  	[tilespmem:s12+$0xFA0] =	vst v0  }
0xb7: {  	v0 =	vld.idx.msk [tilespmem:v1+s7+$0x0], $0xffff;
	_ =	sdelay $0x1  }
0xb8: {  	v1 =	vshll.u32 v2, $0x1;
	_ =	sdelay $0x3  }
0xb9: {  	[tilespmem:s12+$0x1020] =	vst v0  }
0xba: {  	v0 =	vld.idx.msk [tilespmem:v1+s7+$0x0], $0xffff;
	_ =	sdelay $0x1  }
0xbb: {  	v1 =	vor.u32 $0x1, v1  }
0xbc: {  	v2 =	vld [tilespmem:s12+$0x500];
	_ =	sdelay $0x2  }
0xbd: {  	[tilespmem:s12+$0x10A0] =	vst v0  }
0xbe: {  	v0 =	vld.idx.msk [tilespmem:v1+s7+$0x0], $0xffff  }
0xbf: {  	v1 =	vshll.u32 v2, $0x1  }
0xc0: {  	v2 =	vadd.s32 $0x4, v1;
	_ =	sdelay $0x3  }
0xc1: {  	[tilespmem:s12+$0x1120] =	vst v0  }
0xc2: {  	v0 =	vld.idx.msk [tilespmem:v2+s7+$0x0], $0xffff;
	_ =	sdelay $0x1  }
0xc3: {  	v1 =	vadd.s32 $0x5, v1  }
0xc4: {  	v2 =	vld [tilespmem:s12+$0x580];
	_ =	sdelay $0x2  }
0xc5: {  	[tilespmem:s12+$0x11A0] =	vst v0  }
0xc6: {  	v0 =	vld.idx.msk [tilespmem:v1+s7+$0x0], $0xffff  }
0xc7: {  	v1 =	vshll.u32 v2, $0x1  }
0xc8: {  	v2 =	vadd.s32 $0xC, v1;
	_ =	sdelay $0x3  }
0xc9: {  	[tilespmem:s12+$0x1220] =	vst v0  }
0xca: {  	v0 =	vld.idx.msk [tilespmem:v2+s7+$0x0], $0xffff;
	_ =	sdelay $0x1  }
0xcb: {  	v1 =	vadd.s32 $0xD, v1  }
0xcc: {  	v2 =	vld [tilespmem:s12+$0x600];
	_ =	sdelay $0x2  }
0xcd: {  	[tilespmem:s12+$0x12A0] =	vst v0  }
0xce: {  	v0 =	vld.idx.msk [tilespmem:v1+s7+$0x0], $0xffff  }
0xcf: {  	v1 =	vshll.u32 v2, $0x1  }
0xd0: {  	v2 =	vadd.s32 $0x1C, v1;
	_ =	sdelay $0x3  }
0xd1: {  	[tilespmem:s12+$0x1320] =	vst v0  }
0xd2: {  	v0 =	vld.idx.msk [tilespmem:v2+s7+$0x0], $0xffff;
	_ =	sdelay $0x1  }
0xd3: {  	v1 =	vadd.s32 $0x1D, v1;
	_ =	sdelay $0x1  }
0xd4: {  	v2 =	vld [tilespmem:s12+$0x680];
	_ =	sdelay $0x1  }
0xd5: {  	[tilespmem:s12+$0x13A0] =	vst v0  }
0xd6: {  	v0 =	vld.idx.msk [tilespmem:v1+s7+$0x0], $0xffff;
	_ =	sdelay $0x1  }
0xd7: {  	v1 =	vshll.u32 v2, $0x1;
	_ =	sdelay $0x3  }
0xd8: {  	[tilespmem:s12+$0x1420] =	vst v0  }
0xd9: {  	v0 =	vld.idx.msk [tilespmem:v1+s7+$0x0], $0xffff;
	_ =	sdelay $0x1  }
0xda: {  	v1 =	vor.u32 $0x1, v1  }
0xdb: {  	v2 =	vld [tilespmem:s12+$0x700];
	_ =	sdelay $0x2  }
0xdc: {  	[tilespmem:s12+$0x14A0] =	vst v0  }
0xdd: {  	v0 =	vld.idx.msk [tilespmem:v1+s7+$0x0], $0xffff  }
0xde: {  	v1 =	vshll.u32 v2, $0x1  }
0xdf: {  	v2 =	vadd.s32 $0x4, v1;
	_ =	sdelay $0x3  }
0xe0: {  	[tilespmem:s12+$0x1520] =	vst v0  }
0xe1: {  	v0 =	vld.idx.msk [tilespmem:v2+s7+$0x0], $0xffff;
	_ =	sdelay $0x1  }
0xe2: {  	v1 =	vadd.s32 $0x5, v1  }
0xe3: {  	v2 =	vld [tilespmem:s12+$0x780];
	_ =	sdelay $0x2  }
0xe4: {  	[tilespmem:s12+$0x15A0] =	vst v0  }
0xe5: {  	v0 =	vld.idx.msk [tilespmem:v1+s7+$0x0], $0xffff  }
0xe6: {  	v1 =	vshll.u32 v2, $0x1  }
0xe7: {  	v2 =	vadd.s32 $0xC, v1;
	_ =	sdelay $0x3  }
0xe8: {  	[tilespmem:s12+$0x1620] =	vst v0  }
0xe9: {  	v0 =	vld.idx.msk [tilespmem:v2+s7+$0x0], $0xffff;
	_ =	sdelay $0x1  }
0xea: {  	v1 =	vadd.s32 $0xD, v1  }
0xeb: {  	v2 =	vld [tilespmem:s12+$0x800];
	_ =	sdelay $0x2  }
0xec: {  	[tilespmem:s12+$0x16A0] =	vst v0  }
0xed: {  	v0 =	vld.idx.msk [tilespmem:v1+s7+$0x0], $0xffff  }
0xee: {  	v1 =	vshll.u32 v2, $0x1  }
0xef: {  	v2 =	vadd.s32 $0x1C, v1;
	_ =	sdelay $0x3  }
.Ltmp0:
0xf0: {  	[tilespmem:s12+$0x1720] =	vst v0;
	(pc) =	sbr.rel @p0 .LBB2_2-.Ltmp0, $3  }
0xf1: {  	v0 =	vld.idx.msk [tilespmem:v2+s7+$0x0], $0xffff;
	_ =	sdelay $0x1  }
0xf2: {  	v1 =	vadd.s32 $0x1D, v1  }
0xf3: {  	s14 =	sshra.s32 s13, $0x2;
	s13 =	sadd.s32 $0x40, s13  }
0xf4: {  	v2 =	vld [tilespmem:s14+$0x80];
	_ =	sdelay $0x2  }
0xf5: {  	[tilespmem:s12+$0x17A0] =	vst v0  }
0xf6: {  	v0 =	vld.idx.msk [tilespmem:v1+s7+$0x0], $0xffff  }
0xf7: {  	v33 =	vshll.u32 v2, $0x1;
	_ =	sdelay $0x3  }
0xf8: {  	[tilespmem:s12+$0x1820] =	vst v0  }
0xf9: {  	v0 =	vld.idx.msk [tilespmem:v33+s7+$0x0], $0xffff  }
0xfa: {  	v1 =	vor.u32 $0x1, v33;
	v34 =	vld [tilespmem:s14+$0x100];
	_ =	sdelay $0x3  }
0xfb: {  	[tilespmem:s14+$0x8A0] =	vst v0  }
0xfc: {  	v35 =	vshll.u32 v34, $0x1;
	v0 =	vld.idx.msk [tilespmem:v1+s7+$0x0], $0xffff  }
0xfd: {  	v2 =	vadd.s32 $0x4, v35;
	_ =	sdelay $0x3  }
0xfe: {  	[tilespmem:s14+$0x920] =	vst v0  }
0xff: {  	v0 =	vld.idx.msk [tilespmem:v2+s7+$0x0], $0xffff  }
0x100: {  	v36 =	vld [tilespmem:s14+$0x180];
	v1 =	vadd.s32 $0x5, v35;
	_ =	sdelay $0x3  }
0x101: {  	[tilespmem:s14+$0x9A0] =	vst v0  }
0x102: {  	v37 =	vshll.u32 v36, $0x1;
	v0 =	vld.idx.msk [tilespmem:v1+s7+$0x0], $0xffff  }
0x103: {  	v2 =	vadd.s32 $0xC, v37;
	_ =	sdelay $0x3  }
0x104: {  	[tilespmem:s14+$0xA20] =	vst v0  }
0x105: {  	v0 =	vld.idx.msk [tilespmem:v2+s7+$0x0], $0xffff  }
0x106: {  	v38 =	vld [tilespmem:s14+$0x200];
	v1 =	vadd.s32 $0xD, v37;
	_ =	sdelay $0x3  }
0x107: {  	[tilespmem:s14+$0xAA0] =	vst v0  }
0x108: {  	v39 =	vshll.u32 v38, $0x1;
	v0 =	vld.idx.msk [tilespmem:v1+s7+$0x0], $0xffff  }
0x109: {  	v2 =	vadd.s32 $0x1C, v39;
	_ =	sdelay $0x3  }
0x10a: {  	[tilespmem:s14+$0xB20] =	vst v0  }
0x10b: {  	v0 =	vld.idx.msk [tilespmem:v2+s7+$0x0], $0xffff  }
0x10c: {  	v1 =	vadd.s32 $0x1D, v39  }
0x10d: {  	v40 =	vld [tilespmem:s14+$0x280];
	_ =	sdelay $0x2  }
0x10e: {  	[tilespmem:s14+$0xBA0] =	vst v0  }
0x10f: {  	v0 =	vld.idx.msk [tilespmem:v1+s7+$0x0], $0xffff  }
0x110: {  	v41 =	vshll.u32 v40, $0x1;
	_ =	sdelay $0x3  }
0x111: {  	[tilespmem:s14+$0xC20] =	vst v0  }
0x112: {  	v0 =	vld.idx.msk [tilespmem:v41+s7+$0x0], $0xffff  }
0x113: {  	v42 =	vld [tilespmem:s14+$0x300];
	v1 =	vor.u32 $0x1, v41;
	_ =	sdelay $0x3  }
0x114: {  	[tilespmem:s14+$0xCA0] =	vst v0  }
0x115: {  	v43 =	vshll.u32 v42, $0x1;
	v0 =	vld.idx.msk [tilespmem:v1+s7+$0x0], $0xffff  }
0x116: {  	v2 =	vadd.s32 $0x4, v43;
	_ =	sdelay $0x3  }
0x117: {  	[tilespmem:s14+$0xD20] =	vst v0  }
0x118: {  	v0 =	vld.idx.msk [tilespmem:v2+s7+$0x0], $0xffff  }
0x119: {  	v44 =	vld [tilespmem:s14+$0x380];
	v1 =	vadd.s32 $0x5, v43;
	_ =	sdelay $0x3  }
0x11a: {  	[tilespmem:s14+$0xDA0] =	vst v0  }
0x11b: {  	v45 =	vshll.u32 v44, $0x1;
	v0 =	vld.idx.msk [tilespmem:v1+s7+$0x0], $0xffff  }
0x11c: {  	v2 =	vadd.s32 $0xC, v45;
	_ =	sdelay $0x3  }
0x11d: {  	[tilespmem:s14+$0xE20] =	vst v0  }
0x11e: {  	v0 =	vld.idx.msk [tilespmem:v2+s7+$0x0], $0xffff  }
0x11f: {  	v46 =	vld [tilespmem:s14+$0x400];
	v1 =	vadd.s32 $0xD, v45;
	_ =	sdelay $0x3  }
0x120: {  	[tilespmem:s14+$0xEA0] =	vst v0  }
0x121: {  	v47 =	vshll.u32 v46, $0x1;
	v0 =	vld.idx.msk [tilespmem:v1+s7+$0x0], $0xffff  }
0x122: {  	v2 =	vadd.s32 $0x1C, v47;
	_ =	sdelay $0x3  }
0x123: {  	[tilespmem:s14+$0xF20] =	vst v0  }
0x124: {  	v0 =	vld.idx.msk [tilespmem:v2+s7+$0x0], $0xffff  }
0x125: {  	v1 =	vadd.s32 $0x1D, v47  }
0x126: {  	v48 =	vld [tilespmem:s14+$0x480];
	_ =	sdelay $0x2  }
0x127: {  	[tilespmem:s14+$0xFA0] =	vst v0  }
0x128: {  	v0 =	vld.idx.msk [tilespmem:v1+s7+$0x0], $0xffff  }
0x129: {  	v49 =	vshll.u32 v48, $0x1;
	_ =	sdelay $0x3  }
0x12a: {  	[tilespmem:s14+$0x1020] =	vst v0  }
0x12b: {  	v0 =	vld.idx.msk [tilespmem:v49+s7+$0x0], $0xffff  }
0x12c: {  	v50 =	vld [tilespmem:s14+$0x500];
	v1 =	vor.u32 $0x1, v49;
	_ =	sdelay $0x3  }
0x12d: {  	[tilespmem:s14+$0x10A0] =	vst v0  }
0x12e: {  	v51 =	vshll.u32 v50, $0x1;
	v0 =	vld.idx.msk [tilespmem:v1+s7+$0x0], $0xffff  }
0x12f: {  	v2 =	vadd.s32 $0x4, v51;
	_ =	sdelay $0x3  }
0x130: {  	[tilespmem:s14+$0x1120] =	vst v0  }
0x131: {  	v0 =	vld.idx.msk [tilespmem:v2+s7+$0x0], $0xffff  }
0x132: {  	v52 =	vld [tilespmem:s14+$0x580];
	v1 =	vadd.s32 $0x5, v51;
	_ =	sdelay $0x3  }
0x133: {  	[tilespmem:s14+$0x11A0] =	vst v0  }
0x134: {  	v53 =	vshll.u32 v52, $0x1;
	v0 =	vld.idx.msk [tilespmem:v1+s7+$0x0], $0xffff  }
0x135: {  	v2 =	vadd.s32 $0xC, v53;
	_ =	sdelay $0x3  }
0x136: {  	[tilespmem:s14+$0x1220] =	vst v0  }
0x137: {  	v0 =	vld.idx.msk [tilespmem:v2+s7+$0x0], $0xffff  }
0x138: {  	v54 =	vld [tilespmem:s14+$0x600];
	v1 =	vadd.s32 $0xD, v53;
	_ =	sdelay $0x3  }
0x139: {  	[tilespmem:s14+$0x12A0] =	vst v0  }
0x13a: {  	v55 =	vshll.u32 v54, $0x1;
	v0 =	vld.idx.msk [tilespmem:v1+s7+$0x0], $0xffff  }
0x13b: {  	v2 =	vadd.s32 $0x1C, v55;
	_ =	sdelay $0x3  }
0x13c: {  	[tilespmem:s14+$0x1320] =	vst v0  }
0x13d: {  	v0 =	vld.idx.msk [tilespmem:v2+s7+$0x0], $0xffff  }
0x13e: {  	v1 =	vadd.s32 $0x1D, v55  }
0x13f: {  	v56 =	vld [tilespmem:s14+$0x680];
	_ =	sdelay $0x2  }
0x140: {  	[tilespmem:s14+$0x13A0] =	vst v0  }
0x141: {  	v0 =	vld.idx.msk [tilespmem:v1+s7+$0x0], $0xffff  }
0x142: {  	v57 =	vshll.u32 v56, $0x1;
	_ =	sdelay $0x3  }
0x143: {  	[tilespmem:s14+$0x1420] =	vst v0  }
0x144: {  	v0 =	vld.idx.msk [tilespmem:v57+s7+$0x0], $0xffff  }
0x145: {  	v58 =	vld [tilespmem:s14+$0x700];
	v1 =	vor.u32 $0x1, v57;
	_ =	sdelay $0x3  }
0x146: {  	[tilespmem:s14+$0x14A0] =	vst v0  }
0x147: {  	v59 =	vshll.u32 v58, $0x1;
	v0 =	vld.idx.msk [tilespmem:v1+s7+$0x0], $0xffff  }
0x148: {  	v2 =	vadd.s32 $0x4, v59;
	_ =	sdelay $0x3  }
0x149: {  	[tilespmem:s14+$0x1520] =	vst v0  }
0x14a: {  	v0 =	vld.idx.msk [tilespmem:v2+s7+$0x0], $0xffff  }
0x14b: {  	v60 =	vld [tilespmem:s14+$0x780];
	v1 =	vadd.s32 $0x5, v59;
	_ =	sdelay $0x3  }
0x14c: {  	[tilespmem:s14+$0x15A0] =	vst v0  }
0x14d: {  	v61 =	vshll.u32 v60, $0x1;
	v0 =	vld.idx.msk [tilespmem:v1+s7+$0x0], $0xffff  }
0x14e: {  	v2 =	vadd.s32 $0xC, v61;
	_ =	sdelay $0x3  }
0x14f: {  	[tilespmem:s14+$0x1620] =	vst v0  }
0x150: {  	v0 =	vld.idx.msk [tilespmem:v2+s7+$0x0], $0xffff  }
0x151: {  	v62 =	vld [tilespmem:s14+$0x800];
	v1 =	vadd.s32 $0xD, v61;
	_ =	sdelay $0x3  }
0x152: {  	[tilespmem:s14+$0x16A0] =	vst v0  }
0x153: {  	v63 =	vshll.u32 v62, $0x1;
	v0 =	vld.idx.msk [tilespmem:v1+s7+$0x0], $0xffff  }
0x154: {  	v2 =	vadd.s32 $0x1C, v63;
	_ =	sdelay $0x3  }
0x155: {  	[tilespmem:s14+$0x1720] =	vst v0  }
0x156: {  	v0 =	vld.idx.msk [tilespmem:v2+s7+$0x0], $0xffff  }
0x157: {  	v1 =	vadd.s32 $0x1D, v63;
	_ =	sdelay $0x3  }
0x158: {  	[tilespmem:s14+$0x17A0] =	vst v0  }
0x159: {  	v0 =	vld.idx.msk [tilespmem:v1+s7+$0x0], $0xffff;
	_ =	sdelay $0x2  }
0x15a: {  	s11 =	sadd.s32 $0x1, s11  }
0x15b: {  	p0 =	sne.s32 s11, s6  }
.Ltmp1:
0x15c: {  	[tilespmem:s14+$0x1820] =	vst v0;
	(pc) =	sbr.rel @p0 .LBB2_1-.Ltmp1, $4  }
0x15d: {  	[hbm4b:s5+s2] =	stream.linear.scatter [tilespmem:s9], [sflag:$0x2], $0x1000, $0x38;
	[tilespmem:$0x1820] =	vst v63  }
0x15e: {  	_ =	swait.ge [sflag:s10], $0x1000  }
0x15f: {  	[sflag:s10] =	ssyncset.done $0x0  }
0x160: {  	[sflag:s10] =	ssyncadd.s32 $0xFFFFF000  }
0x161: {  	_ =	sfence.sel $0x180000  }
0x162: {  	[bflag:$0x0] =	sbarrier.arrive $0xFFFF  }
0x163: {  	p0 =	sne.s32 s1, $0x0;
	_ =	strace $0x90000047  }
0x164: {  	s0 =	sadd.s32 @!p0 $0x100000, s0;
	[bflag:$0x2] =	sbarrier.arrive $0xFFFF  }
0x165: {  	[sflag:s0] =	ssyncadd.tile.s32 @!p0 $0x1;
	_ =	shalt  }
.Lfunc_end2:
_tile_overlayer_lowered:
.L_overlay_start_2:
0x166: {  	(tag) =	ssettag $0x2  }
0x167: {  	s0 =	rddreg [dreg:$0x0];
	s2 =	stileid.u32  }
0x168: {  	s1 =	rddreg [dreg:$0x1];
	p0 =	sne.s32 s2, $0x0  }
0x169: {  	s3 =	rddreg [dreg:$0x2];
	[bflag:$0x3] =	sbarrier.arrive $0xFFFF;
	s2 =	simm.s32 @!p0 $0x1C02  }
0x16a: {  	[timem:s3], [sflag:s2] =	dma.local @!p0 [hbm:s0], s1  }
0x16b: {  	s0 =	simm.s32 @!p0 $0x2  }
0x16c: {  	_ =	swait.ge @!p0 [sflag:s0], s1  }
0x16d: {  	s1 =	ssub.s32 @!p0 $0x0, s1;
	[sflag:s0] =	ssyncset.done @!p0 $0x0  }
0x16e: {  	[sflag:s0] =	ssyncadd.s32 @!p0 s1  }
0x16f: {  	[bflag:$0x3] =	sbarrier.arrive $0xFFFF  }
0x170: {  	_ =	shalt  }

</sc_bundles>
